<compile_context>
chip_gen: v7x
topology: tpu7x:2x2x1
jax: 0.10.2.dev20260603
libtpu: 0.0.44.dev20260713+nightly
codegen_flags: <defaults>
</compile_context>

<pallas_src>
import functools

import jax
import jax.numpy as jnp
from jax import lax
from jax.experimental import pallas as pl
from jax.experimental.pallas import tpu as pltpu
from jax.experimental.pallas import tpu_sc as plsc

N_NODES = 10000
N_EDGES = 160000
NW = 32
LANES = 16
E_PER_W = N_EDGES // NW
FULL_GROUPS = E_PER_W // LANES
TAIL = E_PER_W - FULL_GROUPS * LANES
EBUF = FULL_GROUPS * LANES + LANES
UNROLL = 4


def _make_edge_agg(feat):
    mesh = plsc.VectorSubcoreMesh(core_axis_name="c", subcore_axis_name="s")

    @functools.partial(
        pl.kernel,
        out_type=jax.ShapeDtypeStruct((NW * feat, N_NODES), jnp.float32),
        mesh=mesh,
        compiler_params=pltpu.CompilerParams(needs_layout_passes=False),
        scratch_types=[
            pltpu.VMEM((feat, N_NODES), jnp.float32),
            pltpu.VMEM((feat, N_NODES), jnp.float32),
            pltpu.VMEM((EBUF,), jnp.int32),
            pltpu.VMEM((EBUF,), jnp.int32),
            pltpu.SemaphoreType.DMA,
            pltpu.SemaphoreType.DMA,
            pltpu.SemaphoreType.DMA,
        ],
    )
    def edge_agg(p_hbm, ei_hbm, out_hbm, p_v, agg_v, src_v, dst_v,
                 sem_p, sem_s, sem_d):
        wid = lax.axis_index("s") * 2 + lax.axis_index("c")
        base = wid * E_PER_W
        cp_p = pltpu.async_copy(p_hbm, p_v, sem_p)
        cp_s = pltpu.async_copy(ei_hbm.at[pl.ds(base, E_PER_W)],
                                src_v.at[pl.ds(0, E_PER_W)], sem_s)
        cp_d = pltpu.async_copy(ei_hbm.at[pl.ds(N_EDGES + base, E_PER_W)],
                                dst_v.at[pl.ds(0, E_PER_W)], sem_d)

        zeros = jnp.zeros((LANES,), jnp.float32)

        def zero_body(i, carry):
            for u in range(5):
                for f in range(feat):
                    agg_v[f, pl.ds((i * 5 + u) * LANES, LANES)] = zeros
            return carry

        lax.fori_loop(0, N_NODES // LANES // 5, zero_body, 0)
        cp_p.wait()
        cp_s.wait()
        cp_d.wait()

        rows = [jnp.full((LANES,), f, jnp.int32) for f in range(feat)]

        def edge_body(i, carry):
            for u in range(UNROLL):
                e = (i * UNROLL + u) * LANES
                s = src_v[pl.ds(e, LANES)]
                d = dst_v[pl.ds(e, LANES)]
                for f in range(feat):
                    vals = plsc.load_gather(p_v, [rows[f], s])
                    plsc.addupdate_scatter(agg_v, [rows[f], d], vals)
            return carry

        lax.fori_loop(0, FULL_GROUPS // UNROLL, edge_body, 0)

        mask = lax.iota(jnp.int32, LANES) < TAIL
        e = FULL_GROUPS * LANES
        s = jnp.where(mask, src_v[pl.ds(e, LANES)], 0)
        d = jnp.where(mask, dst_v[pl.ds(e, LANES)], 0)
        for f in range(feat):
            vals = plsc.load_gather(p_v, [rows[f], s])
            plsc.addupdate_scatter(agg_v, [rows[f], d], vals, mask=mask)

        pltpu.sync_copy(agg_v, out_hbm.at[pl.ds(wid * feat, feat)])

    return edge_agg


_edge_agg_f4 = _make_edge_agg(4)
_edge_agg_f2 = _make_edge_agg(2)


def _bias_rows(b, shape):
    return lax.broadcast_in_dim(b, shape, (0,))


def _proj_kernel(x_ref, wr_ref, wo_ref, b_ref, p_ref, r_ref):
    x = x_ref[...]
    p_ref[...] = lax.dot_general(wr_ref[...], x, (((0,), (1,)), ((), ())),
                                 preferred_element_type=jnp.float32)
    r = lax.dot_general(wo_ref[...], x, (((0,), (1,)), ((), ())),
                        preferred_element_type=jnp.float32)
    r_ref[...] = r + _bias_rows(b_ref[...], r.shape)


def _project(x, w_rel, w_root, b):
    return pl.pallas_call(
        _proj_kernel,
        out_shape=(
            jax.ShapeDtypeStruct((w_rel.shape[1], N_NODES), jnp.float32),
            jax.ShapeDtypeStruct((w_root.shape[1], N_NODES), jnp.float32),
        ),
    )(x, w_rel, w_root, b)


def _combine_proj_kernel(parts_ref, r_ref, wr_ref, wo_ref, b_ref,
                         p_ref, rn_ref):
    feat = r_ref.shape[0]
    parts = parts_ref[...].reshape(NW, feat, N_NODES)
    h = jnp.tanh(jnp.sum(parts, axis=0) + r_ref[...])
    p_ref[...] = lax.dot_general(wr_ref[...], h, (((0,), (0,)), ((), ())),
                                 preferred_element_type=jnp.float32)
    rn = lax.dot_general(wo_ref[...], h, (((0,), (0,)), ((), ())),
                         preferred_element_type=jnp.float32)
    rn_ref[...] = rn + _bias_rows(b_ref[...], rn.shape)


def _combine_project(partials, r, w_rel, w_root, b):
    return pl.pallas_call(
        _combine_proj_kernel,
        out_shape=(
            jax.ShapeDtypeStruct((w_rel.shape[1], N_NODES), jnp.float32),
            jax.ShapeDtypeStruct((w_root.shape[1], N_NODES), jnp.float32),
        ),
    )(partials, r, w_rel, w_root, b)


def _finish_kernel(parts_ref, r_ref, out_ref):
    feat = r_ref.shape[0]
    parts = parts_ref[...].reshape(NW, feat, N_NODES)
    out_ref[...] = jnp.tanh(jnp.sum(parts, axis=0) + r_ref[...])


def _finish(partials, r):
    return pl.pallas_call(
        _finish_kernel,
        out_shape=jax.ShapeDtypeStruct(r.shape, jnp.float32),
    )(partials, r)


def kernel(edge_index, x, W1_rel, b1_rel, W1_root, W2_rel, b2_rel, W2_root,
           W3_rel, b3_rel, W3_root):
    ei_flat = edge_index.reshape(-1)
    p1, r1 = _project(x, W1_rel, W1_root, b1_rel)
    parts1 = _edge_agg_f4(p1, ei_flat)
    p2, r2 = _combine_project(parts1, r1, W2_rel, W2_root, b2_rel)
    parts2 = _edge_agg_f4(p2, ei_flat)
    p3, r3 = _combine_project(parts2, r2, W3_rel, W3_root, b3_rel)
    parts3 = _edge_agg_f2(p3, ei_flat)
    return _finish(parts3, r3).T

# --- scband reference (transcript-rebuilt; emitter-appended) ---
"""Pipeline reference for scband-feature-extractor-gcn-33371895890711 (READ-ONLY COPY).

The authoritative reference and input builder live on the scoring server;
editing this copy changes nothing except your own understanding.
"""

import jax, jax.numpy as jnp
import numpy as np

N_NODES = 10000
N_EDGES = 160000
D_FEAT = 256


def setup_inputs(seed: int = 0) -> dict:
    key = jax.random.key(seed)
    ks = jax.random.split(key, 12)
    x = jax.random.normal(ks[0], (N_NODES, D_FEAT), dtype=jnp.float32)
    edge_index = jax.random.randint(ks[1], (2, N_EDGES), 0, N_NODES, dtype=jnp.int32)
    # GraphConv layer 1: 256 -> 4 (lin_rel has bias, lin_root has no bias)
    W1_rel = jax.random.normal(ks[2], (D_FEAT, 4), dtype=jnp.float32) * 0.05
    b1_rel = jax.random.normal(ks[3], (4,), dtype=jnp.float32) * 0.05
    W1_root = jax.random.normal(ks[4], (D_FEAT, 4), dtype=jnp.float32) * 0.05
    # GraphConv layer 2: 4 -> 4
    W2_rel = jax.random.normal(ks[5], (4, 4), dtype=jnp.float32) * 0.05
    b2_rel = jax.random.normal(ks[6], (4,), dtype=jnp.float32) * 0.05
    W2_root = jax.random.normal(ks[7], (4, 4), dtype=jnp.float32) * 0.05
    # GraphConv layer 3: 4 -> 2
    W3_rel = jax.random.normal(ks[8], (4, 2), dtype=jnp.float32) * 0.05
    b3_rel = jax.random.normal(ks[9], (2,), dtype=jnp.float32) * 0.05
    W3_root = jax.random.normal(ks[10], (4, 2), dtype=jnp.float32) * 0.05
    return {
        "edge_index": edge_index,
        "x": x,
        "W1_rel": W1_rel, "b1_rel": b1_rel, "W1_root": W1_root,
        "W2_rel": W2_rel, "b2_rel": b2_rel, "W2_root": W2_root,
        "W3_rel": W3_rel, "b3_rel": b3_rel, "W3_root": W3_root,
    }


def _graph_conv(h, src, dst, W_rel, b_rel, W_root):
    # PyG GraphConv (aggr='add'): out_i = lin_rel(sum_{j in N(i)} h_j) + lin_root(h_i)
    msgs = h[src]  # gather source node features over edges
    agg = jax.ops.segment_sum(msgs, dst, num_segments=N_NODES)
    return agg @ W_rel + b_rel + h @ W_root


def reference(edge_index, x, W1_rel, b1_rel, W1_root, W2_rel, b2_rel, W2_root, W3_rel, b3_rel, W3_root):
    src = edge_index[0]
    dst = edge_index[1]
    h = jnp.tanh(_graph_conv(x, src, dst, W1_rel, b1_rel, W1_root))
    h = jnp.tanh(_graph_conv(h, src, dst, W2_rel, b2_rel, W2_root))
    h = jnp.tanh(_graph_conv(h, src, dst, W3_rel, b3_rel, W3_root))
    return h

if __name__ == "__main__":
    import jax
    _d = setup_inputs()
    print(jax.jit(kernel)(*tuple(_d.values())))

</pallas_src>

<mosaic_0001>
#map = affine_map<(d0, d1) -> (0, 0)>
#map1 = affine_map<(d0, d1) -> (0)>
module attributes {stable_mosaic.version = 14 : i64} {
  func.func @edge_agg(%arg0: i32, %arg1: i32, %arg2: memref<2x10000xf32, #tpu.memory_space<hbm>>, %arg3: memref<320000xi32, #tpu.memory_space<hbm>>, %arg4: memref<64x10000xf32, #tpu.memory_space<hbm>>, %arg5: memref<2x10000xf32, #tpu.memory_space<vmem>>, %arg6: memref<2x10000xf32, #tpu.memory_space<vmem>>, %arg7: memref<5008xi32, #tpu.memory_space<vmem>>, %arg8: memref<5008xi32, #tpu.memory_space<vmem>>, %arg9: memref<!tpu.dma_semaphore, #tpu.memory_space<semaphore_mem>>, %arg10: memref<!tpu.dma_semaphore, #tpu.memory_space<semaphore_mem>>, %arg11: memref<!tpu.dma_semaphore, #tpu.memory_space<semaphore_mem>>) attributes {dimension_semantics = [#tpu.dimension_semantics<core_parallel>, #tpu.dimension_semantics<subcore_parallel>], iteration_bounds = array<i64: 2, 16>, scalar_prefetch = 0 : i64, scratch_operands = 7 : i64, tpu.core_type = #tpu.core_type<sc_vector_subcore>, window_params = [{transform_indices = #map}, {transform_indices = #map1}, {transform_indices = #map}]} {
    %mul3A = arith.constant 2 : i32
    %mul3A_0 = arith.muli %arg1, %mul3A : i32
    %add3A = arith.addi %mul3A_0, %arg0 : i32
    %mul3A_1 = arith.constant 5000 : i32
    %mul3A_2 = arith.muli %add3A, %mul3A_1 : i32
    tpu.enqueue_dma source(%arg2 : memref<2x10000xf32, #tpu.memory_space<hbm>>) target(%arg5 : memref<2x10000xf32, #tpu.memory_space<vmem>>) target_semaphore(%arg9 : memref<!tpu.dma_semaphore, #tpu.memory_space<semaphore_mem>>)
    %dma_start3A = arith.constant 0 : i32
    %dma_start3A_3 = tpu.memref_slice %arg7[%dma_start3A] : memref<5008xi32, #tpu.memory_space<vmem>> -> memref<5000xi32, #tpu.memory_space<vmem>>
    %dma_start3A_4 = tpu.memref_slice %arg3[%mul3A_2] : memref<320000xi32, #tpu.memory_space<hbm>> -> memref<5000xi32, #tpu.memory_space<hbm>>
    %dma_start3A_5 = arith.constant 0 : i32
    %dma_start3A_6 = tpu.memref_slice %arg7[%dma_start3A_5] : memref<5008xi32, #tpu.memory_space<vmem>> -> memref<5000xi32, #tpu.memory_space<vmem>>
    %dma_start3A_7 = tpu.memref_slice %arg3[%mul3A_2] : memref<320000xi32, #tpu.memory_space<hbm>> -> memref<5000xi32, #tpu.memory_space<hbm>>
    tpu.enqueue_dma source(%dma_start3A_7 : memref<5000xi32, #tpu.memory_space<hbm>>) target(%dma_start3A_6 : memref<5000xi32, #tpu.memory_space<vmem>>) target_semaphore(%arg10 : memref<!tpu.dma_semaphore, #tpu.memory_space<semaphore_mem>>)
    %add3A_8 = arith.constant 160000 : i32
    %add3A_9 = arith.addi %add3A_8, %mul3A_2 : i32
    %dma_start3A_10 = arith.constant 0 : i32
    %dma_start3A_11 = tpu.memref_slice %arg8[%dma_start3A_10] : memref<5008xi32, #tpu.memory_space<vmem>> -> memref<5000xi32, #tpu.memory_space<vmem>>
    %dma_start3A_12 = tpu.memref_slice %arg3[%add3A_9] : memref<320000xi32, #tpu.memory_space<hbm>> -> memref<5000xi32, #tpu.memory_space<hbm>>
    %dma_start3A_13 = arith.constant 0 : i32
    %dma_start3A_14 = tpu.memref_slice %arg8[%dma_start3A_13] : memref<5008xi32, #tpu.memory_space<vmem>> -> memref<5000xi32, #tpu.memory_space<vmem>>
    %dma_start3A_15 = tpu.memref_slice %arg3[%add3A_9] : memref<320000xi32, #tpu.memory_space<hbm>> -> memref<5000xi32, #tpu.memory_space<hbm>>
    tpu.enqueue_dma source(%dma_start3A_15 : memref<5000xi32, #tpu.memory_space<hbm>>) target(%dma_start3A_14 : memref<5000xi32, #tpu.memory_space<vmem>>) target_semaphore(%arg11 : memref<!tpu.dma_semaphore, #tpu.memory_space<semaphore_mem>>)
    %broadcast_in_dim3A = arith.constant 0.000000e+00 : f32
    %broadcast_in_dim3A_16 = vector.broadcast %broadcast_in_dim3A : f32 to vector<16xf32>
    %scan3A = arith.constant 0 : i32
    %scan3A_17 = arith.constant 0 : i32
    %scan3A_18 = arith.constant 125 : i32
    %scan3A_19 = arith.addi %scan3A_17, %scan3A_18 : i32
    %scan3A_20 = arith.constant 1 : i32
    scf.for %scan3A_55 = %scan3A_17 to %scan3A_19 step %scan3A_20  : i32 {
      %mul3A_56 = arith.constant 5 : i32
      %mul3A_57 = arith.muli %scan3A_55, %mul3A_56 : i32
      %add3A_58 = arith.constant 0 : i32
      %add3A_59 = arith.addi %mul3A_57, %add3A_58 : i32
      %mul3A_60 = arith.constant 16 : i32
      %mul3A_61 = arith.muli %add3A_59, %mul3A_60 : i32
      %swap3A = arith.constant 0 : i32
      %swap3A_62 = arith.index_cast %swap3A : i32 to index
      %swap3A_63 = arith.index_cast %mul3A_61 : i32 to index
      %swap3A_64 = tpu.vector_load %arg6[%swap3A_62, %swap3A_63] {strides = array<i32>} : memref<2x10000xf32, #tpu.memory_space<vmem>>, vector<16xf32>,
      tpu.vector_store %arg6[%swap3A_62, %swap3A_63], %broadcast_in_dim3A_16 {strides = array<i32>} : memref<2x10000xf32, #tpu.memory_space<vmem>>, vector<16xf32>,
      %mul3A_65 = arith.constant 5 : i32
      %mul3A_66 = arith.muli %scan3A_55, %mul3A_65 : i32
      %add3A_67 = arith.constant 0 : i32
      %add3A_68 = arith.addi %mul3A_66, %add3A_67 : i32
      %mul3A_69 = arith.constant 16 : i32
      %mul3A_70 = arith.muli %add3A_68, %mul3A_69 : i32
      %swap3A_71 = arith.constant 1 : i32
      %swap3A_72 = arith.index_cast %swap3A_71 : i32 to index
      %swap3A_73 = arith.index_cast %mul3A_70 : i32 to index
      %swap3A_74 = tpu.vector_load %arg6[%swap3A_72, %swap3A_73] {strides = array<i32>} : memref<2x10000xf32, #tpu.memory_space<vmem>>, vector<16xf32>,
      tpu.vector_store %arg6[%swap3A_72, %swap3A_73], %broadcast_in_dim3A_16 {strides = array<i32>} : memref<2x10000xf32, #tpu.memory_space<vmem>>, vector<16xf32>,
      %mul3A_75 = arith.constant 5 : i32
      %mul3A_76 = arith.muli %scan3A_55, %mul3A_75 : i32
      %add3A_77 = arith.constant 1 : i32
      %add3A_78 = arith.addi %mul3A_76, %add3A_77 : i32
      %mul3A_79 = arith.constant 16 : i32
      %mul3A_80 = arith.muli %add3A_78, %mul3A_79 : i32
      %swap3A_81 = arith.constant 0 : i32
      %swap3A_82 = arith.index_cast %swap3A_81 : i32 to index
      %swap3A_83 = arith.index_cast %mul3A_80 : i32 to index
      %swap3A_84 = tpu.vector_load %arg6[%swap3A_82, %swap3A_83] {strides = array<i32>} : memref<2x10000xf32, #tpu.memory_space<vmem>>, vector<16xf32>,
      tpu.vector_store %arg6[%swap3A_82, %swap3A_83], %broadcast_in_dim3A_16 {strides = array<i32>} : memref<2x10000xf32, #tpu.memory_space<vmem>>, vector<16xf32>,
      %mul3A_85 = arith.constant 5 : i32
      %mul3A_86 = arith.muli %scan3A_55, %mul3A_85 : i32
      %add3A_87 = arith.constant 1 : i32
      %add3A_88 = arith.addi %mul3A_86, %add3A_87 : i32
      %mul3A_89 = arith.constant 16 : i32
      %mul3A_90 = arith.muli %add3A_88, %mul3A_89 : i32
      %swap3A_91 = arith.constant 1 : i32
      %swap3A_92 = arith.index_cast %swap3A_91 : i32 to index
      %swap3A_93 = arith.index_cast %mul3A_90 : i32 to index
      %swap3A_94 = tpu.vector_load %arg6[%swap3A_92, %swap3A_93] {strides = array<i32>} : memref<2x10000xf32, #tpu.memory_space<vmem>>, vector<16xf32>,
      tpu.vector_store %arg6[%swap3A_92, %swap3A_93], %broadcast_in_dim3A_16 {strides = array<i32>} : memref<2x10000xf32, #tpu.memory_space<vmem>>, vector<16xf32>,
      %mul3A_95 = arith.constant 5 : i32
      %mul3A_96 = arith.muli %scan3A_55, %mul3A_95 : i32
      %add3A_97 = arith.constant 2 : i32
      %add3A_98 = arith.addi %mul3A_96, %add3A_97 : i32
      %mul3A_99 = arith.constant 16 : i32
      %mul3A_100 = arith.muli %add3A_98, %mul3A_99 : i32
      %swap3A_101 = arith.constant 0 : i32
      %swap3A_102 = arith.index_cast %swap3A_101 : i32 to index
      %swap3A_103 = arith.index_cast %mul3A_100 : i32 to index
      %swap3A_104 = tpu.vector_load %arg6[%swap3A_102, %swap3A_103] {strides = array<i32>} : memref<2x10000xf32, #tpu.memory_space<vmem>>, vector<16xf32>,
      tpu.vector_store %arg6[%swap3A_102, %swap3A_103], %broadcast_in_dim3A_16 {strides = array<i32>} : memref<2x10000xf32, #tpu.memory_space<vmem>>, vector<16xf32>,
      %mul3A_105 = arith.constant 5 : i32
      %mul3A_106 = arith.muli %scan3A_55, %mul3A_105 : i32
      %add3A_107 = arith.constant 2 : i32
      %add3A_108 = arith.addi %mul3A_106, %add3A_107 : i32
      %mul3A_109 = arith.constant 16 : i32
      %mul3A_110 = arith.muli %add3A_108, %mul3A_109 : i32
      %swap3A_111 = arith.constant 1 : i32
      %swap3A_112 = arith.index_cast %swap3A_111 : i32 to index
      %swap3A_113 = arith.index_cast %mul3A_110 : i32 to index
      %swap3A_114 = tpu.vector_load %arg6[%swap3A_112, %swap3A_113] {strides = array<i32>} : memref<2x10000xf32, #tpu.memory_space<vmem>>, vector<16xf32>,
      tpu.vector_store %arg6[%swap3A_112, %swap3A_113], %broadcast_in_dim3A_16 {strides = array<i32>} : memref<2x10000xf32, #tpu.memory_space<vmem>>, vector<16xf32>,
      %mul3A_115 = arith.constant 5 : i32
      %mul3A_116 = arith.muli %scan3A_55, %mul3A_115 : i32
      %add3A_117 = arith.constant 3 : i32
      %add3A_118 = arith.addi %mul3A_116, %add3A_117 : i32
      %mul3A_119 = arith.constant 16 : i32
      %mul3A_120 = arith.muli %add3A_118, %mul3A_119 : i32
      %swap3A_121 = arith.constant 0 : i32
      %swap3A_122 = arith.index_cast %swap3A_121 : i32 to index
      %swap3A_123 = arith.index_cast %mul3A_120 : i32 to index
      %swap3A_124 = tpu.vector_load %arg6[%swap3A_122, %swap3A_123] {strides = array<i32>} : memref<2x10000xf32, #tpu.memory_space<vmem>>, vector<16xf32>,
      tpu.vector_store %arg6[%swap3A_122, %swap3A_123], %broadcast_in_dim3A_16 {strides = array<i32>} : memref<2x10000xf32, #tpu.memory_space<vmem>>, vector<16xf32>,
      %mul3A_125 = arith.constant 5 : i32
      %mul3A_126 = arith.muli %scan3A_55, %mul3A_125 : i32
      %add3A_127 = arith.constant 3 : i32
      %add3A_128 = arith.addi %mul3A_126, %add3A_127 : i32
      %mul3A_129 = arith.constant 16 : i32
      %mul3A_130 = arith.muli %add3A_128, %mul3A_129 : i32
      %swap3A_131 = arith.constant 1 : i32
      %swap3A_132 = arith.index_cast %swap3A_131 : i32 to index
      %swap3A_133 = arith.index_cast %mul3A_130 : i32 to index
      %swap3A_134 = tpu.vector_load %arg6[%swap3A_132, %swap3A_133] {strides = array<i32>} : memref<2x10000xf32, #tpu.memory_space<vmem>>, vector<16xf32>,
      tpu.vector_store %arg6[%swap3A_132, %swap3A_133], %broadcast_in_dim3A_16 {strides = array<i32>} : memref<2x10000xf32, #tpu.memory_space<vmem>>, vector<16xf32>,
      %mul3A_135 = arith.constant 5 : i32
      %mul3A_136 = arith.muli %scan3A_55, %mul3A_135 : i32
      %add3A_137 = arith.constant 4 : i32
      %add3A_138 = arith.addi %mul3A_136, %add3A_137 : i32
      %mul3A_139 = arith.constant 16 : i32
      %mul3A_140 = arith.muli %add3A_138, %mul3A_139 : i32
      %swap3A_141 = arith.constant 0 : i32
      %swap3A_142 = arith.index_cast %swap3A_141 : i32 to index
      %swap3A_143 = arith.index_cast %mul3A_140 : i32 to index
      %swap3A_144 = tpu.vector_load %arg6[%swap3A_142, %swap3A_143] {strides = array<i32>} : memref<2x10000xf32, #tpu.memory_space<vmem>>, vector<16xf32>,
      tpu.vector_store %arg6[%swap3A_142, %swap3A_143], %broadcast_in_dim3A_16 {strides = array<i32>} : memref<2x10000xf32, #tpu.memory_space<vmem>>, vector<16xf32>,
      %mul3A_145 = arith.constant 5 : i32
      %mul3A_146 = arith.muli %scan3A_55, %mul3A_145 : i32
      %add3A_147 = arith.constant 4 : i32
      %add3A_148 = arith.addi %mul3A_146, %add3A_147 : i32
      %mul3A_149 = arith.constant 16 : i32
      %mul3A_150 = arith.muli %add3A_148, %mul3A_149 : i32
      %swap3A_151 = arith.constant 1 : i32
      %swap3A_152 = arith.index_cast %swap3A_151 : i32 to index
      %swap3A_153 = arith.index_cast %mul3A_150 : i32 to index
      %swap3A_154 = tpu.vector_load %arg6[%swap3A_152, %swap3A_153] {strides = array<i32>} : memref<2x10000xf32, #tpu.memory_space<vmem>>, vector<16xf32>,
      tpu.vector_store %arg6[%swap3A_152, %swap3A_153], %broadcast_in_dim3A_16 {strides = array<i32>} : memref<2x10000xf32, #tpu.memory_space<vmem>>, vector<16xf32>,
    }
    %scan3A_21 = arith.constant 125 : i32
    tpu.wait_dma2 semaphore(%arg9 : memref<!tpu.dma_semaphore, #tpu.memory_space<semaphore_mem>>) src(%arg2 : memref<2x10000xf32, #tpu.memory_space<hbm>>) dst(%arg5 : memref<2x10000xf32, #tpu.memory_space<vmem>>)
    %dma_wait3A = arith.constant 0 : i32
    %dma_wait3A_22 = tpu.memref_slice %arg7[%dma_wait3A] : memref<5008xi32, #tpu.memory_space<vmem>> -> memref<5000xi32, #tpu.memory_space<vmem>>
    %dma_wait3A_23 = tpu.memref_slice %arg3[%mul3A_2] : memref<320000xi32, #tpu.memory_space<hbm>> -> memref<5000xi32, #tpu.memory_space<hbm>>
    %dma_wait3A_24 = arith.constant 0 : i32
    %dma_wait3A_25 = tpu.memref_slice %arg7[%dma_wait3A_24] : memref<5008xi32, #tpu.memory_space<vmem>> -> memref<5000xi32, #tpu.memory_space<vmem>>
    %dma_wait3A_26 = tpu.memref_slice %arg3[%mul3A_2] : memref<320000xi32, #tpu.memory_space<hbm>> -> memref<5000xi32, #tpu.memory_space<hbm>>
    tpu.wait_dma2 semaphore(%arg10 : memref<!tpu.dma_semaphore, #tpu.memory_space<semaphore_mem>>) src(%dma_wait3A_26 : memref<5000xi32, #tpu.memory_space<hbm>>) dst(%dma_wait3A_25 : memref<5000xi32, #tpu.memory_space<vmem>>)
    %dma_wait3A_27 = arith.constant 0 : i32
    %dma_wait3A_28 = tpu.memref_slice %arg8[%dma_wait3A_27] : memref<5008xi32, #tpu.memory_space<vmem>> -> memref<5000xi32, #tpu.memory_space<vmem>>
    %dma_wait3A_29 = tpu.memref_slice %arg3[%add3A_9] : memref<320000xi32, #tpu.memory_space<hbm>> -> memref<5000xi32, #tpu.memory_space<hbm>>
    %dma_wait3A_30 = arith.constant 0 : i32
    %dma_wait3A_31 = tpu.memref_slice %arg8[%dma_wait3A_30] : memref<5008xi32, #tpu.memory_space<vmem>> -> memref<5000xi32, #tpu.memory_space<vmem>>
    %dma_wait3A_32 = tpu.memref_slice %arg3[%add3A_9] : memref<320000xi32, #tpu.memory_space<hbm>> -> memref<5000xi32, #tpu.memory_space<hbm>>
    tpu.wait_dma2 semaphore(%arg11 : memref<!tpu.dma_semaphore, #tpu.memory_space<semaphore_mem>>) src(%dma_wait3A_32 : memref<5000xi32, #tpu.memory_space<hbm>>) dst(%dma_wait3A_31 : memref<5000xi32, #tpu.memory_space<vmem>>)
    %broadcast_in_dim3A_33 = arith.constant 0 : i32
    %broadcast_in_dim3A_34 = vector.broadcast %broadcast_in_dim3A_33 : i32 to vector<16xi32>
    %broadcast_in_dim3A_35 = arith.constant 1 : i32
    %broadcast_in_dim3A_36 = vector.broadcast %broadcast_in_dim3A_35 : i32 to vector<16xi32>
    %scan3A_37 = arith.constant 0 : i32
    %scan3A_38 = arith.constant 0 : i32
    %scan3A_39 = arith.constant 78 : i32
    %scan3A_40 = arith.addi %scan3A_38, %scan3A_39 : i32
    %scan3A_41 = arith.constant 1 : i32
    scf.for %scan3A_55 = %scan3A_38 to %scan3A_40 step %scan3A_41  : i32 {
      %mul3A_56 = arith.constant 4 : i32
      %mul3A_57 = arith.muli %scan3A_55, %mul3A_56 : i32
      %add3A_58 = arith.constant 0 : i32
      %add3A_59 = arith.addi %mul3A_57, %add3A_58 : i32
      %mul3A_60 = arith.constant 16 : i32
      %mul3A_61 = arith.muli %add3A_59, %mul3A_60 : i32
      %get3A_62 = arith.index_cast %mul3A_61 : i32 to index
      %get3A_63 = tpu.vector_load %arg7[%get3A_62] {strides = array<i32>} : memref<5008xi32, #tpu.memory_space<vmem>>, vector<16xi32>,
      %get3A_64 = arith.index_cast %mul3A_61 : i32 to index
      %get3A_65 = tpu.vector_load %arg8[%get3A_64] {strides = array<i32>} : memref<5008xi32, #tpu.memory_space<vmem>>, vector<16xi32>,
      %gather3A_66 = tpu.vector_load_idx %arg5[%broadcast_in_dim3A_34, %get3A_63] : memref<2x10000xf32, #tpu.memory_space<vmem>>[vector<16xi32>, vector<16xi32>], vector<16xf32>,
      tpu.vector_store_idx %arg6[%broadcast_in_dim3A_34, %get3A_65], %gather3A_66 {add = true} : memref<2x10000xf32, #tpu.memory_space<vmem>>[vector<16xi32>, vector<16xi32>], vector<16xf32>,
      %gather3A_67 = tpu.vector_load_idx %arg5[%broadcast_in_dim3A_36, %get3A_63] : memref<2x10000xf32, #tpu.memory_space<vmem>>[vector<16xi32>, vector<16xi32>], vector<16xf32>,
      tpu.vector_store_idx %arg6[%broadcast_in_dim3A_36, %get3A_65], %gather3A_67 {add = true} : memref<2x10000xf32, #tpu.memory_space<vmem>>[vector<16xi32>, vector<16xi32>], vector<16xf32>,
      %mul3A_68 = arith.constant 4 : i32
      %mul3A_69 = arith.muli %scan3A_55, %mul3A_68 : i32
      %add3A_70 = arith.constant 1 : i32
      %add3A_71 = arith.addi %mul3A_69, %add3A_70 : i32
      %mul3A_72 = arith.constant 16 : i32
      %mul3A_73 = arith.muli %add3A_71, %mul3A_72 : i32
      %get3A_74 = arith.index_cast %mul3A_73 : i32 to index
      %get3A_75 = tpu.vector_load %arg7[%get3A_74] {strides = array<i32>} : memref<5008xi32, #tpu.memory_space<vmem>>, vector<16xi32>,
      %get3A_76 = arith.index_cast %mul3A_73 : i32 to index
      %get3A_77 = tpu.vector_load %arg8[%get3A_76] {strides = array<i32>} : memref<5008xi32, #tpu.memory_space<vmem>>, vector<16xi32>,
      %gather3A_78 = tpu.vector_load_idx %arg5[%broadcast_in_dim3A_34, %get3A_75] : memref<2x10000xf32, #tpu.memory_space<vmem>>[vector<16xi32>, vector<16xi32>], vector<16xf32>,
      tpu.vector_store_idx %arg6[%broadcast_in_dim3A_34, %get3A_77], %gather3A_78 {add = true} : memref<2x10000xf32, #tpu.memory_space<vmem>>[vector<16xi32>, vector<16xi32>], vector<16xf32>,
      %gather3A_79 = tpu.vector_load_idx %arg5[%broadcast_in_dim3A_36, %get3A_75] : memref<2x10000xf32, #tpu.memory_space<vmem>>[vector<16xi32>, vector<16xi32>], vector<16xf32>,
      tpu.vector_store_idx %arg6[%broadcast_in_dim3A_36, %get3A_77], %gather3A_79 {add = true} : memref<2x10000xf32, #tpu.memory_space<vmem>>[vector<16xi32>, vector<16xi32>], vector<16xf32>,
      %mul3A_80 = arith.constant 4 : i32
      %mul3A_81 = arith.muli %scan3A_55, %mul3A_80 : i32
      %add3A_82 = arith.constant 2 : i32
      %add3A_83 = arith.addi %mul3A_81, %add3A_82 : i32
      %mul3A_84 = arith.constant 16 : i32
      %mul3A_85 = arith.muli %add3A_83, %mul3A_84 : i32
      %get3A_86 = arith.index_cast %mul3A_85 : i32 to index
      %get3A_87 = tpu.vector_load %arg7[%get3A_86] {strides = array<i32>} : memref<5008xi32, #tpu.memory_space<vmem>>, vector<16xi32>,
      %get3A_88 = arith.index_cast %mul3A_85 : i32 to index
      %get3A_89 = tpu.vector_load %arg8[%get3A_88] {strides = array<i32>} : memref<5008xi32, #tpu.memory_space<vmem>>, vector<16xi32>,
      %gather3A_90 = tpu.vector_load_idx %arg5[%broadcast_in_dim3A_34, %get3A_87] : memref<2x10000xf32, #tpu.memory_space<vmem>>[vector<16xi32>, vector<16xi32>], vector<16xf32>,
      tpu.vector_store_idx %arg6[%broadcast_in_dim3A_34, %get3A_89], %gather3A_90 {add = true} : memref<2x10000xf32, #tpu.memory_space<vmem>>[vector<16xi32>, vector<16xi32>], vector<16xf32>,
      %gather3A_91 = tpu.vector_load_idx %arg5[%broadcast_in_dim3A_36, %get3A_87] : memref<2x10000xf32, #tpu.memory_space<vmem>>[vector<16xi32>, vector<16xi32>], vector<16xf32>,
      tpu.vector_store_idx %arg6[%broadcast_in_dim3A_36, %get3A_89], %gather3A_91 {add = true} : memref<2x10000xf32, #tpu.memory_space<vmem>>[vector<16xi32>, vector<16xi32>], vector<16xf32>,
      %mul3A_92 = arith.constant 4 : i32
      %mul3A_93 = arith.muli %scan3A_55, %mul3A_92 : i32
      %add3A_94 = arith.constant 3 : i32
      %add3A_95 = arith.addi %mul3A_93, %add3A_94 : i32
      %mul3A_96 = arith.constant 16 : i32
      %mul3A_97 = arith.muli %add3A_95, %mul3A_96 : i32
      %get3A_98 = arith.index_cast %mul3A_97 : i32 to index
      %get3A_99 = tpu.vector_load %arg7[%get3A_98] {strides = array<i32>} : memref<5008xi32, #tpu.memory_space<vmem>>, vector<16xi32>,
      %get3A_100 = arith.index_cast %mul3A_97 : i32 to index
      %get3A_101 = tpu.vector_load %arg8[%get3A_100] {strides = array<i32>} : memref<5008xi32, #tpu.memory_space<vmem>>, vector<16xi32>,
      %gather3A_102 = tpu.vector_load_idx %arg5[%broadcast_in_dim3A_34, %get3A_99] : memref<2x10000xf32, #tpu.memory_space<vmem>>[vector<16xi32>, vector<16xi32>], vector<16xf32>,
      tpu.vector_store_idx %arg6[%broadcast_in_dim3A_34, %get3A_101], %gather3A_102 {add = true} : memref<2x10000xf32, #tpu.memory_space<vmem>>[vector<16xi32>, vector<16xi32>], vector<16xf32>,
      %gather3A_103 = tpu.vector_load_idx %arg5[%broadcast_in_dim3A_36, %get3A_99] : memref<2x10000xf32, #tpu.memory_space<vmem>>[vector<16xi32>, vector<16xi32>], vector<16xf32>,
      tpu.vector_store_idx %arg6[%broadcast_in_dim3A_36, %get3A_101], %gather3A_103 {add = true} : memref<2x10000xf32, #tpu.memory_space<vmem>>[vector<16xi32>, vector<16xi32>], vector<16xf32>,
    }
    %scan3A_42 = arith.constant 78 : i32
    %iota3A = tpu.iota {dimensions = array<i32: 0>} : vector<16xi32>
    %lt3A = arith.constant 8 : i32
    %lt3A_43 = vector.broadcast %lt3A : i32 to vector<16xi32>
    %lt3A_44 = arith.cmpi slt, %iota3A, %lt3A_43 : vector<16xi32>
    %get3A = arith.constant 4992 : index
    %get3A_45 = tpu.vector_load %arg7[%get3A] {strides = array<i32>} : memref<5008xi32, #tpu.memory_space<vmem>>, vector<16xi32>,
    %jit3A = arith.constant 0 : i32
    %broadcast_in_dim3A_46 = vector.broadcast %jit3A : i32 to vector<16xi32>
    %select_n3A = arith.select %lt3A_44, %get3A_45, %broadcast_in_dim3A_46 : vector<16xi1>, vector<16xi32>
    %get3A_47 = arith.constant 4992 : index
    %get3A_48 = tpu.vector_load %arg8[%get3A_47] {strides = array<i32>} : memref<5008xi32, #tpu.memory_space<vmem>>, vector<16xi32>,
    %jit3A_49 = arith.constant 0 : i32
    %broadcast_in_dim3A_50 = vector.broadcast %jit3A_49 : i32 to vector<16xi32>
    %select_n3A_51 = arith.select %lt3A_44, %get3A_48, %broadcast_in_dim3A_50 : vector<16xi1>, vector<16xi32>
    %gather3A = tpu.vector_load_idx %arg5[%broadcast_in_dim3A_34, %select_n3A] : memref<2x10000xf32, #tpu.memory_space<vmem>>[vector<16xi32>, vector<16xi32>], vector<16xf32>,
    tpu.vector_store_idx %arg6[%broadcast_in_dim3A_34, %select_n3A_51], %gather3A masked %lt3A_44 {add = true} : memref<2x10000xf32, #tpu.memory_space<vmem>>[vector<16xi32>, vector<16xi32>], vector<16xf32>, vector<16xi1>
    %gather3A_52 = tpu.vector_load_idx %arg5[%broadcast_in_dim3A_36, %select_n3A] : memref<2x10000xf32, #tpu.memory_space<vmem>>[vector<16xi32>, vector<16xi32>], vector<16xf32>,
    tpu.vector_store_idx %arg6[%broadcast_in_dim3A_36, %select_n3A_51], %gather3A_52 masked %lt3A_44 {add = true} : memref<2x10000xf32, #tpu.memory_space<vmem>>[vector<16xi32>, vector<16xi32>], vector<16xf32>, vector<16xi1>
    %mul3A_53 = arith.constant 2 : i32
    %mul3A_54 = arith.muli %add3A, %mul3A_53 : i32
    "tpu.region"() ({
      %run_scoped3A = tpu.sem_alloc : memref<!tpu.dma_semaphore, #tpu.memory_space<semaphore_mem>>
      %dma_start3A_55 = arith.constant 0 : i32
      %dma_start3A_56 = tpu.memref_slice %arg4[%mul3A_54, %dma_start3A_55] : memref<64x10000xf32, #tpu.memory_space<hbm>> -> memref<2x10000xf32, #tpu.memory_space<hbm>>
      %dma_start3A_57 = arith.constant 0 : i32
      %dma_start3A_58 = tpu.memref_slice %arg4[%mul3A_54, %dma_start3A_57] : memref<64x10000xf32, #tpu.memory_space<hbm>> -> memref<2x10000xf32, #tpu.memory_space<hbm>>
      tpu.enqueue_dma source(%arg6 : memref<2x10000xf32, #tpu.memory_space<vmem>>) target(%dma_start3A_58 : memref<2x10000xf32, #tpu.memory_space<hbm>>) target_semaphore(%run_scoped3A : memref<!tpu.dma_semaphore, #tpu.memory_space<semaphore_mem>>)
      %dma_wait3A_59 = arith.constant 0 : i32
      %dma_wait3A_60 = tpu.memref_slice %arg4[%mul3A_54, %dma_wait3A_59] : memref<64x10000xf32, #tpu.memory_space<hbm>> -> memref<2x10000xf32, #tpu.memory_space<hbm>>
      %dma_wait3A_61 = arith.constant 0 : i32
      %dma_wait3A_62 = tpu.memref_slice %arg4[%mul3A_54, %dma_wait3A_61] : memref<64x10000xf32, #tpu.memory_space<hbm>> -> memref<2x10000xf32, #tpu.memory_space<hbm>>
      tpu.wait_dma2 semaphore(%run_scoped3A : memref<!tpu.dma_semaphore, #tpu.memory_space<semaphore_mem>>) src(%arg6 : memref<2x10000xf32, #tpu.memory_space<vmem>>) dst(%dma_wait3A_62 : memref<2x10000xf32, #tpu.memory_space<hbm>>)
      tpu.yield
    }) : () -> ()
    return
  }
}

#map = affine_map<(d0, d1) -> (0, 0)>
#map1 = affine_map<(d0, d1) -> (0)>
module attributes {stable_mosaic.version = 14 : i64} {
  func.func @edge_agg(%arg0: i32, %arg1: i32, %arg2: memref<4x10000xf32, #tpu.memory_space<hbm>>, %arg3: memref<320000xi32, #tpu.memory_space<hbm>>, %arg4: memref<128x10000xf32, #tpu.memory_space<hbm>>, %arg5: memref<4x10000xf32, #tpu.memory_space<vmem>>, %arg6: memref<4x10000xf32, #tpu.memory_space<vmem>>, %arg7: memref<5008xi32, #tpu.memory_space<vmem>>, %arg8: memref<5008xi32, #tpu.memory_space<vmem>>, %arg9: memref<!tpu.dma_semaphore, #tpu.memory_space<semaphore_mem>>, %arg10: memref<!tpu.dma_semaphore, #tpu.memory_space<semaphore_mem>>, %arg11: memref<!tpu.dma_semaphore, #tpu.memory_space<semaphore_mem>>) attributes {dimension_semantics = [#tpu.dimension_semantics<core_parallel>, #tpu.dimension_semantics<subcore_parallel>], iteration_bounds = array<i64: 2, 16>, scalar_prefetch = 0 : i64, scratch_operands = 7 : i64, tpu.core_type = #tpu.core_type<sc_vector_subcore>, window_params = [{transform_indices = #map}, {transform_indices = #map1}, {transform_indices = #map}]} {
    %mul3A = arith.constant 2 : i32
    %mul3A_0 = arith.muli %arg1, %mul3A : i32
    %add3A = arith.addi %mul3A_0, %arg0 : i32
    %mul3A_1 = arith.constant 5000 : i32
    %mul3A_2 = arith.muli %add3A, %mul3A_1 : i32
    tpu.enqueue_dma source(%arg2 : memref<4x10000xf32, #tpu.memory_space<hbm>>) target(%arg5 : memref<4x10000xf32, #tpu.memory_space<vmem>>) target_semaphore(%arg9 : memref<!tpu.dma_semaphore, #tpu.memory_space<semaphore_mem>>)
    %dma_start3A = arith.constant 0 : i32
    %dma_start3A_3 = tpu.memref_slice %arg7[%dma_start3A] : memref<5008xi32, #tpu.memory_space<vmem>> -> memref<5000xi32, #tpu.memory_space<vmem>>
    %dma_start3A_4 = tpu.memref_slice %arg3[%mul3A_2] : memref<320000xi32, #tpu.memory_space<hbm>> -> memref<5000xi32, #tpu.memory_space<hbm>>
    %dma_start3A_5 = arith.constant 0 : i32
    %dma_start3A_6 = tpu.memref_slice %arg7[%dma_start3A_5] : memref<5008xi32, #tpu.memory_space<vmem>> -> memref<5000xi32, #tpu.memory_space<vmem>>
    %dma_start3A_7 = tpu.memref_slice %arg3[%mul3A_2] : memref<320000xi32, #tpu.memory_space<hbm>> -> memref<5000xi32, #tpu.memory_space<hbm>>
    tpu.enqueue_dma source(%dma_start3A_7 : memref<5000xi32, #tpu.memory_space<hbm>>) target(%dma_start3A_6 : memref<5000xi32, #tpu.memory_space<vmem>>) target_semaphore(%arg10 : memref<!tpu.dma_semaphore, #tpu.memory_space<semaphore_mem>>)
    %add3A_8 = arith.constant 160000 : i32
    %add3A_9 = arith.addi %add3A_8, %mul3A_2 : i32
    %dma_start3A_10 = arith.constant 0 : i32
    %dma_start3A_11 = tpu.memref_slice %arg8[%dma_start3A_10] : memref<5008xi32, #tpu.memory_space<vmem>> -> memref<5000xi32, #tpu.memory_space<vmem>>
    %dma_start3A_12 = tpu.memref_slice %arg3[%add3A_9] : memref<320000xi32, #tpu.memory_space<hbm>> -> memref<5000xi32, #tpu.memory_space<hbm>>
    %dma_start3A_13 = arith.constant 0 : i32
    %dma_start3A_14 = tpu.memref_slice %arg8[%dma_start3A_13] : memref<5008xi32, #tpu.memory_space<vmem>> -> memref<5000xi32, #tpu.memory_space<vmem>>
    %dma_start3A_15 = tpu.memref_slice %arg3[%add3A_9] : memref<320000xi32, #tpu.memory_space<hbm>> -> memref<5000xi32, #tpu.memory_space<hbm>>
    tpu.enqueue_dma source(%dma_start3A_15 : memref<5000xi32, #tpu.memory_space<hbm>>) target(%dma_start3A_14 : memref<5000xi32, #tpu.memory_space<vmem>>) target_semaphore(%arg11 : memref<!tpu.dma_semaphore, #tpu.memory_space<semaphore_mem>>)
    %broadcast_in_dim3A = arith.constant 0.000000e+00 : f32
    %broadcast_in_dim3A_16 = vector.broadcast %broadcast_in_dim3A : f32 to vector<16xf32>
    %scan3A = arith.constant 0 : i32
    %scan3A_17 = arith.constant 0 : i32
    %scan3A_18 = arith.constant 125 : i32
    %scan3A_19 = arith.addi %scan3A_17, %scan3A_18 : i32
    %scan3A_20 = arith.constant 1 : i32
    scf.for %scan3A_61 = %scan3A_17 to %scan3A_19 step %scan3A_20  : i32 {
      %mul3A_62 = arith.constant 5 : i32
      %mul3A_63 = arith.muli %scan3A_61, %mul3A_62 : i32
      %add3A_64 = arith.constant 0 : i32
      %add3A_65 = arith.addi %mul3A_63, %add3A_64 : i32
      %mul3A_66 = arith.constant 16 : i32
      %mul3A_67 = arith.muli %add3A_65, %mul3A_66 : i32
      %swap3A = arith.constant 0 : i32
      %swap3A_68 = arith.index_cast %swap3A : i32 to index
      %swap3A_69 = arith.index_cast %mul3A_67 : i32 to index
      %swap3A_70 = tpu.vector_load %arg6[%swap3A_68, %swap3A_69] {strides = array<i32>} : memref<4x10000xf32, #tpu.memory_space<vmem>>, vector<16xf32>,
      tpu.vector_store %arg6[%swap3A_68, %swap3A_69], %broadcast_in_dim3A_16 {strides = array<i32>} : memref<4x10000xf32, #tpu.memory_space<vmem>>, vector<16xf32>,
      %mul3A_71 = arith.constant 5 : i32
      %mul3A_72 = arith.muli %scan3A_61, %mul3A_71 : i32
      %add3A_73 = arith.constant 0 : i32
      %add3A_74 = arith.addi %mul3A_72, %add3A_73 : i32
      %mul3A_75 = arith.constant 16 : i32
      %mul3A_76 = arith.muli %add3A_74, %mul3A_75 : i32
      %swap3A_77 = arith.constant 1 : i32
      %swap3A_78 = arith.index_cast %swap3A_77 : i32 to index
      %swap3A_79 = arith.index_cast %mul3A_76 : i32 to index
      %swap3A_80 = tpu.vector_load %arg6[%swap3A_78, %swap3A_79] {strides = array<i32>} : memref<4x10000xf32, #tpu.memory_space<vmem>>, vector<16xf32>,
      tpu.vector_store %arg6[%swap3A_78, %swap3A_79], %broadcast_in_dim3A_16 {strides = array<i32>} : memref<4x10000xf32, #tpu.memory_space<vmem>>, vector<16xf32>,
      %mul3A_81 = arith.constant 5 : i32
      %mul3A_82 = arith.muli %scan3A_61, %mul3A_81 : i32
      %add3A_83 = arith.constant 0 : i32
      %add3A_84 = arith.addi %mul3A_82, %add3A_83 : i32
      %mul3A_85 = arith.constant 16 : i32
      %mul3A_86 = arith.muli %add3A_84, %mul3A_85 : i32
      %swap3A_87 = arith.constant 2 : i32
      %swap3A_88 = arith.index_cast %swap3A_87 : i32 to index
      %swap3A_89 = arith.index_cast %mul3A_86 : i32 to index
      %swap3A_90 = tpu.vector_load %arg6[%swap3A_88, %swap3A_89] {strides = array<i32>} : memref<4x10000xf32, #tpu.memory_space<vmem>>, vector<16xf32>,
      tpu.vector_store %arg6[%swap3A_88, %swap3A_89], %broadcast_in_dim3A_16 {strides = array<i32>} : memref<4x10000xf32, #tpu.memory_space<vmem>>, vector<16xf32>,
      %mul3A_91 = arith.constant 5 : i32
      %mul3A_92 = arith.muli %scan3A_61, %mul3A_91 : i32
      %add3A_93 = arith.constant 0 : i32
      %add3A_94 = arith.addi %mul3A_92, %add3A_93 : i32
      %mul3A_95 = arith.constant 16 : i32
      %mul3A_96 = arith.muli %add3A_94, %mul3A_95 : i32
      %swap3A_97 = arith.constant 3 : i32
      %swap3A_98 = arith.index_cast %swap3A_97 : i32 to index
      %swap3A_99 = arith.index_cast %mul3A_96 : i32 to index
      %swap3A_100 = tpu.vector_load %arg6[%swap3A_98, %swap3A_99] {strides = array<i32>} : memref<4x10000xf32, #tpu.memory_space<vmem>>, vector<16xf32>,
      tpu.vector_store %arg6[%swap3A_98, %swap3A_99], %broadcast_in_dim3A_16 {strides = array<i32>} : memref<4x10000xf32, #tpu.memory_space<vmem>>, vector<16xf32>,
      %mul3A_101 = arith.constant 5 : i32
      %mul3A_102 = arith.muli %scan3A_61, %mul3A_101 : i32
      %add3A_103 = arith.constant 1 : i32
      %add3A_104 = arith.addi %mul3A_102, %add3A_103 : i32
      %mul3A_105 = arith.constant 16 : i32
      %mul3A_106 = arith.muli %add3A_104, %mul3A_105 : i32
      %swap3A_107 = arith.constant 0 : i32
      %swap3A_108 = arith.index_cast %swap3A_107 : i32 to index
      %swap3A_109 = arith.index_cast %mul3A_106 : i32 to index
      %swap3A_110 = tpu.vector_load %arg6[%swap3A_108, %swap3A_109] {strides = array<i32>} : memref<4x10000xf32, #tpu.memory_space<vmem>>, vector<16xf32>,
      tpu.vector_store %arg6[%swap3A_108, %swap3A_109], %broadcast_in_dim3A_16 {strides = array<i32>} : memref<4x10000xf32, #tpu.memory_space<vmem>>, vector<16xf32>,
      %mul3A_111 = arith.constant 5 : i32
      %mul3A_112 = arith.muli %scan3A_61, %mul3A_111 : i32
      %add3A_113 = arith.constant 1 : i32
      %add3A_114 = arith.addi %mul3A_112, %add3A_113 : i32
      %mul3A_115 = arith.constant 16 : i32
      %mul3A_116 = arith.muli %add3A_114, %mul3A_115 : i32
      %swap3A_117 = arith.constant 1 : i32
      %swap3A_118 = arith.index_cast %swap3A_117 : i32 to index
      %swap3A_119 = arith.index_cast %mul3A_116 : i32 to index
      %swap3A_120 = tpu.vector_load %arg6[%swap3A_118, %swap3A_119] {strides = array<i32>} : memref<4x10000xf32, #tpu.memory_space<vmem>>, vector<16xf32>,
      tpu.vector_store %arg6[%swap3A_118, %swap3A_119], %broadcast_in_dim3A_16 {strides = array<i32>} : memref<4x10000xf32, #tpu.memory_space<vmem>>, vector<16xf32>,
      %mul3A_121 = arith.constant 5 : i32
      %mul3A_122 = arith.muli %scan3A_61, %mul3A_121 : i32
      %add3A_123 = arith.constant 1 : i32
      %add3A_124 = arith.addi %mul3A_122, %add3A_123 : i32
      %mul3A_125 = arith.constant 16 : i32
      %mul3A_126 = arith.muli %add3A_124, %mul3A_125 : i32
      %swap3A_127 = arith.constant 2 : i32
      %swap3A_128 = arith.index_cast %swap3A_127 : i32 to index
      %swap3A_129 = arith.index_cast %mul3A_126 : i32 to index
      %swap3A_130 = tpu.vector_load %arg6[%swap3A_128, %swap3A_129] {strides = array<i32>} : memref<4x10000xf32, #tpu.memory_space<vmem>>, vector<16xf32>,
      tpu.vector_store %arg6[%swap3A_128, %swap3A_129], %broadcast_in_dim3A_16 {strides = array<i32>} : memref<4x10000xf32, #tpu.memory_space<vmem>>, vector<16xf32>,
      %mul3A_131 = arith.constant 5 : i32
      %mul3A_132 = arith.muli %scan3A_61, %mul3A_131 : i32
      %add3A_133 = arith.constant 1 : i32
      %add3A_134 = arith.addi %mul3A_132, %add3A_133 : i32
      %mul3A_135 = arith.constant 16 : i32
      %mul3A_136 = arith.muli %add3A_134, %mul3A_135 : i32
      %swap3A_137 = arith.constant 3 : i32
      %swap3A_138 = arith.index_cast %swap3A_137 : i32 to index
      %swap3A_139 = arith.index_cast %mul3A_136 : i32 to index
      %swap3A_140 = tpu.vector_load %arg6[%swap3A_138, %swap3A_139] {strides = array<i32>} : memref<4x10000xf32, #tpu.memory_space<vmem>>, vector<16xf32>,
      tpu.vector_store %arg6[%swap3A_138, %swap3A_139], %broadcast_in_dim3A_16 {strides = array<i32>} : memref<4x10000xf32, #tpu.memory_space<vmem>>, vector<16xf32>,
      %mul3A_141 = arith.constant 5 : i32
      %mul3A_142 = arith.muli %scan3A_61, %mul3A_141 : i32
      %add3A_143 = arith.constant 2 : i32
      %add3A_144 = arith.addi %mul3A_142, %add3A_143 : i32
      %mul3A_145 = arith.constant 16 : i32
      %mul3A_146 = arith.muli %add3A_144, %mul3A_145 : i32
      %swap3A_147 = arith.constant 0 : i32
      %swap3A_148 = arith.index_cast %swap3A_147 : i32 to index
      %swap3A_149 = arith.index_cast %mul3A_146 : i32 to index
      %swap3A_150 = tpu.vector_load %arg6[%swap3A_148, %swap3A_149] {strides = array<i32>} : memref<4x10000xf32, #tpu.memory_space<vmem>>, vector<16xf32>,
      tpu.vector_store %arg6[%swap3A_148, %swap3A_149], %broadcast_in_dim3A_16 {strides = array<i32>} : memref<4x10000xf32, #tpu.memory_space<vmem>>, vector<16xf32>,
      %mul3A_151 = arith.constant 5 : i32
      %mul3A_152 = arith.muli %scan3A_61, %mul3A_151 : i32
      %add3A_153 = arith.constant 2 : i32
      %add3A_154 = arith.addi %mul3A_152, %add3A_153 : i32
      %mul3A_155 = arith.constant 16 : i32
      %mul3A_156 = arith.muli %add3A_154, %mul3A_155 : i32
      %swap3A_157 = arith.constant 1 : i32
      %swap3A_158 = arith.index_cast %swap3A_157 : i32 to index
      %swap3A_159 = arith.index_cast %mul3A_156 : i32 to index
      %swap3A_160 = tpu.vector_load %arg6[%swap3A_158, %swap3A_159] {strides = array<i32>} : memref<4x10000xf32, #tpu.memory_space<vmem>>, vector<16xf32>,
      tpu.vector_store %arg6[%swap3A_158, %swap3A_159], %broadcast_in_dim3A_16 {strides = array<i32>} : memref<4x10000xf32, #tpu.memory_space<vmem>>, vector<16xf32>,
      %mul3A_161 = arith.constant 5 : i32
      %mul3A_162 = arith.muli %scan3A_61, %mul3A_161 : i32
      %add3A_163 = arith.constant 2 : i32
      %add3A_164 = arith.addi %mul3A_162, %add3A_163 : i32
      %mul3A_165 = arith.constant 16 : i32
      %mul3A_166 = arith.muli %add3A_164, %mul3A_165 : i32
      %swap3A_167 = arith.constant 2 : i32
      %swap3A_168 = arith.index_cast %swap3A_167 : i32 to index
      %swap3A_169 = arith.index_cast %mul3A_166 : i32 to index
      %swap3A_170 = tpu.vector_load %arg6[%swap3A_168, %swap3A_169] {strides = array<i32>} : memref<4x10000xf32, #tpu.memory_space<vmem>>, vector<16xf32>,
      tpu.vector_store %arg6[%swap3A_168, %swap3A_169], %broadcast_in_dim3A_16 {strides = array<i32>} : memref<4x10000xf32, #tpu.memory_space<vmem>>, vector<16xf32>,
      %mul3A_171 = arith.constant 5 : i32
      %mul3A_172 = arith.muli %scan3A_61, %mul3A_171 : i32
      %add3A_173 = arith.constant 2 : i32
      %add3A_174 = arith.addi %mul3A_172, %add3A_173 : i32
      %mul3A_175 = arith.constant 16 : i32
      %mul3A_176 = arith.muli %add3A_174, %mul3A_175 : i32
      %swap3A_177 = arith.constant 3 : i32
      %swap3A_178 = arith.index_cast %swap3A_177 : i32 to index
      %swap3A_179 = arith.index_cast %mul3A_176 : i32 to index
      %swap3A_180 = tpu.vector_load %arg6[%swap3A_178, %swap3A_179] {strides = array<i32>} : memref<4x10000xf32, #tpu.memory_space<vmem>>, vector<16xf32>,
      tpu.vector_store %arg6[%swap3A_178, %swap3A_179], %broadcast_in_dim3A_16 {strides = array<i32>} : memref<4x10000xf32, #tpu.memory_space<vmem>>, vector<16xf32>,
      %mul3A_181 = arith.constant 5 : i32
      %mul3A_182 = arith.muli %scan3A_61, %mul3A_181 : i32
      %add3A_183 = arith.constant 3 : i32
      %add3A_184 = arith.addi %mul3A_182, %add3A_183 : i32
      %mul3A_185 = arith.constant 16 : i32
      %mul3A_186 = arith.muli %add3A_184, %mul3A_185 : i32
      %swap3A_187 = arith.constant 0 : i32
      %swap3A_188 = arith.index_cast %swap3A_187 : i32 to index
      %swap3A_189 = arith.index_cast %mul3A_186 : i32 to index
      %swap3A_190 = tpu.vector_load %arg6[%swap3A_188, %swap3A_189] {strides = array<i32>} : memref<4x10000xf32, #tpu.memory_space<vmem>>, vector<16xf32>,
      tpu.vector_store %arg6[%swap3A_188, %swap3A_189], %broadcast_in_dim3A_16 {strides = array<i32>} : memref<4x10000xf32, #tpu.memory_space<vmem>>, vector<16xf32>,
      %mul3A_191 = arith.constant 5 : i32
      %mul3A_192 = arith.muli %scan3A_61, %mul3A_191 : i32
      %add3A_193 = arith.constant 3 : i32
      %add3A_194 = arith.addi %mul3A_192, %add3A_193 : i32
      %mul3A_195 = arith.constant 16 : i32
      %mul3A_196 = arith.muli %add3A_194, %mul3A_195 : i32
      %swap3A_197 = arith.constant 1 : i32
      %swap3A_198 = arith.index_cast %swap3A_197 : i32 to index
      %swap3A_199 = arith.index_cast %mul3A_196 : i32 to index
      %swap3A_200 = tpu.vector_load %arg6[%swap3A_198, %swap3A_199] {strides = array<i32>} : memref<4x10000xf32, #tpu.memory_space<vmem>>, vector<16xf32>,
      tpu.vector_store %arg6[%swap3A_198, %swap3A_199], %broadcast_in_dim3A_16 {strides = array<i32>} : memref<4x10000xf32, #tpu.memory_space<vmem>>, vector<16xf32>,
      %mul3A_201 = arith.constant 5 : i32
      %mul3A_202 = arith.muli %scan3A_61, %mul3A_201 : i32
      %add3A_203 = arith.constant 3 : i32
      %add3A_204 = arith.addi %mul3A_202, %add3A_203 : i32
      %mul3A_205 = arith.constant 16 : i32
      %mul3A_206 = arith.muli %add3A_204, %mul3A_205 : i32
      %swap3A_207 = arith.constant 2 : i32
      %swap3A_208 = arith.index_cast %swap3A_207 : i32 to index
      %swap3A_209 = arith.index_cast %mul3A_206 : i32 to index
      %swap3A_210 = tpu.vector_load %arg6[%swap3A_208, %swap3A_209] {strides = array<i32>} : memref<4x10000xf32, #tpu.memory_space<vmem>>, vector<16xf32>,
      tpu.vector_store %arg6[%swap3A_208, %swap3A_209], %broadcast_in_dim3A_16 {strides = array<i32>} : memref<4x10000xf32, #tpu.memory_space<vmem>>, vector<16xf32>,
      %mul3A_211 = arith.constant 5 : i32
      %mul3A_212 = arith.muli %scan3A_61, %mul3A_211 : i32
      %add3A_213 = arith.constant 3 : i32
      %add3A_214 = arith.addi %mul3A_212, %add3A_213 : i32
      %mul3A_215 = arith.constant 16 : i32
      %mul3A_216 = arith.muli %add3A_214, %mul3A_215 : i32
      %swap3A_217 = arith.constant 3 : i32
      %swap3A_218 = arith.index_cast %swap3A_217 : i32 to index
      %swap3A_219 = arith.index_cast %mul3A_216 : i32 to index
      %swap3A_220 = tpu.vector_load %arg6[%swap3A_218, %swap3A_219] {strides = array<i32>} : memref<4x10000xf32, #tpu.memory_space<vmem>>, vector<16xf32>,
      tpu.vector_store %arg6[%swap3A_218, %swap3A_219], %broadcast_in_dim3A_16 {strides = array<i32>} : memref<4x10000xf32, #tpu.memory_space<vmem>>, vector<16xf32>,
      %mul3A_221 = arith.constant 5 : i32
      %mul3A_222 = arith.muli %scan3A_61, %mul3A_221 : i32
      %add3A_223 = arith.constant 4 : i32
      %add3A_224 = arith.addi %mul3A_222, %add3A_223 : i32
      %mul3A_225 = arith.constant 16 : i32
      %mul3A_226 = arith.muli %add3A_224, %mul3A_225 : i32
      %swap3A_227 = arith.constant 0 : i32
      %swap3A_228 = arith.index_cast %swap3A_227 : i32 to index
      %swap3A_229 = arith.index_cast %mul3A_226 : i32 to index
      %swap3A_230 = tpu.vector_load %arg6[%swap3A_228, %swap3A_229] {strides = array<i32>} : memref<4x10000xf32, #tpu.memory_space<vmem>>, vector<16xf32>,
      tpu.vector_store %arg6[%swap3A_228, %swap3A_229], %broadcast_in_dim3A_16 {strides = array<i32>} : memref<4x10000xf32, #tpu.memory_space<vmem>>, vector<16xf32>,
      %mul3A_231 = arith.constant 5 : i32
      %mul3A_232 = arith.muli %scan3A_61, %mul3A_231 : i32
      %add3A_233 = arith.constant 4 : i32
      %add3A_234 = arith.addi %mul3A_232, %add3A_233 : i32
      %mul3A_235 = arith.constant 16 : i32
      %mul3A_236 = arith.muli %add3A_234, %mul3A_235 : i32
      %swap3A_237 = arith.constant 1 : i32
      %swap3A_238 = arith.index_cast %swap3A_237 : i32 to index
      %swap3A_239 = arith.index_cast %mul3A_236 : i32 to index
      %swap3A_240 = tpu.vector_load %arg6[%swap3A_238, %swap3A_239] {strides = array<i32>} : memref<4x10000xf32, #tpu.memory_space<vmem>>, vector<16xf32>,
      tpu.vector_store %arg6[%swap3A_238, %swap3A_239], %broadcast_in_dim3A_16 {strides = array<i32>} : memref<4x10000xf32, #tpu.memory_space<vmem>>, vector<16xf32>,
      %mul3A_241 = arith.constant 5 : i32
      %mul3A_242 = arith.muli %scan3A_61, %mul3A_241 : i32
      %add3A_243 = arith.constant 4 : i32
      %add3A_244 = arith.addi %mul3A_242, %add3A_243 : i32
      %mul3A_245 = arith.constant 16 : i32
      %mul3A_246 = arith.muli %add3A_244, %mul3A_245 : i32
      %swap3A_247 = arith.constant 2 : i32
      %swap3A_248 = arith.index_cast %swap3A_247 : i32 to index
      %swap3A_249 = arith.index_cast %mul3A_246 : i32 to index
      %swap3A_250 = tpu.vector_load %arg6[%swap3A_248, %swap3A_249] {strides = array<i32>} : memref<4x10000xf32, #tpu.memory_space<vmem>>, vector<16xf32>,
      tpu.vector_store %arg6[%swap3A_248, %swap3A_249], %broadcast_in_dim3A_16 {strides = array<i32>} : memref<4x10000xf32, #tpu.memory_space<vmem>>, vector<16xf32>,
      %mul3A_251 = arith.constant 5 : i32
      %mul3A_252 = arith.muli %scan3A_61, %mul3A_251 : i32
      %add3A_253 = arith.constant 4 : i32
      %add3A_254 = arith.addi %mul3A_252, %add3A_253 : i32
      %mul3A_255 = arith.constant 16 : i32
      %mul3A_256 = arith.muli %add3A_254, %mul3A_255 : i32
      %swap3A_257 = arith.constant 3 : i32
      %swap3A_258 = arith.index_cast %swap3A_257 : i32 to index
      %swap3A_259 = arith.index_cast %mul3A_256 : i32 to index
      %swap3A_260 = tpu.vector_load %arg6[%swap3A_258, %swap3A_259] {strides = array<i32>} : memref<4x10000xf32, #tpu.memory_space<vmem>>, vector<16xf32>,
      tpu.vector_store %arg6[%swap3A_258, %swap3A_259], %broadcast_in_dim3A_16 {strides = array<i32>} : memref<4x10000xf32, #tpu.memory_space<vmem>>, vector<16xf32>,
    }
    %scan3A_21 = arith.constant 125 : i32
    tpu.wait_dma2 semaphore(%arg9 : memref<!tpu.dma_semaphore, #tpu.memory_space<semaphore_mem>>) src(%arg2 : memref<4x10000xf32, #tpu.memory_space<hbm>>) dst(%arg5 : memref<4x10000xf32, #tpu.memory_space<vmem>>)
    %dma_wait3A = arith.constant 0 : i32
    %dma_wait3A_22 = tpu.memref_slice %arg7[%dma_wait3A] : memref<5008xi32, #tpu.memory_space<vmem>> -> memref<5000xi32, #tpu.memory_space<vmem>>
    %dma_wait3A_23 = tpu.memref_slice %arg3[%mul3A_2] : memref<320000xi32, #tpu.memory_space<hbm>> -> memref<5000xi32, #tpu.memory_space<hbm>>
    %dma_wait3A_24 = arith.constant 0 : i32
    %dma_wait3A_25 = tpu.memref_slice %arg7[%dma_wait3A_24] : memref<5008xi32, #tpu.memory_space<vmem>> -> memref<5000xi32, #tpu.memory_space<vmem>>
    %dma_wait3A_26 = tpu.memref_slice %arg3[%mul3A_2] : memref<320000xi32, #tpu.memory_space<hbm>> -> memref<5000xi32, #tpu.memory_space<hbm>>
    tpu.wait_dma2 semaphore(%arg10 : memref<!tpu.dma_semaphore, #tpu.memory_space<semaphore_mem>>) src(%dma_wait3A_26 : memref<5000xi32, #tpu.memory_space<hbm>>) dst(%dma_wait3A_25 : memref<5000xi32, #tpu.memory_space<vmem>>)
    %dma_wait3A_27 = arith.constant 0 : i32
    %dma_wait3A_28 = tpu.memref_slice %arg8[%dma_wait3A_27] : memref<5008xi32, #tpu.memory_space<vmem>> -> memref<5000xi32, #tpu.memory_space<vmem>>
    %dma_wait3A_29 = tpu.memref_slice %arg3[%add3A_9] : memref<320000xi32, #tpu.memory_space<hbm>> -> memref<5000xi32, #tpu.memory_space<hbm>>
    %dma_wait3A_30 = arith.constant 0 : i32
    %dma_wait3A_31 = tpu.memref_slice %arg8[%dma_wait3A_30] : memref<5008xi32, #tpu.memory_space<vmem>> -> memref<5000xi32, #tpu.memory_space<vmem>>
    %dma_wait3A_32 = tpu.memref_slice %arg3[%add3A_9] : memref<320000xi32, #tpu.memory_space<hbm>> -> memref<5000xi32, #tpu.memory_space<hbm>>
    tpu.wait_dma2 semaphore(%arg11 : memref<!tpu.dma_semaphore, #tpu.memory_space<semaphore_mem>>) src(%dma_wait3A_32 : memref<5000xi32, #tpu.memory_space<hbm>>) dst(%dma_wait3A_31 : memref<5000xi32, #tpu.memory_space<vmem>>)
    %broadcast_in_dim3A_33 = arith.constant 0 : i32
    %broadcast_in_dim3A_34 = vector.broadcast %broadcast_in_dim3A_33 : i32 to vector<16xi32>
    %broadcast_in_dim3A_35 = arith.constant 1 : i32
    %broadcast_in_dim3A_36 = vector.broadcast %broadcast_in_dim3A_35 : i32 to vector<16xi32>
    %broadcast_in_dim3A_37 = arith.constant 2 : i32
    %broadcast_in_dim3A_38 = vector.broadcast %broadcast_in_dim3A_37 : i32 to vector<16xi32>
    %broadcast_in_dim3A_39 = arith.constant 3 : i32
    %broadcast_in_dim3A_40 = vector.broadcast %broadcast_in_dim3A_39 : i32 to vector<16xi32>
    %scan3A_41 = arith.constant 0 : i32
    %scan3A_42 = arith.constant 0 : i32
    %scan3A_43 = arith.constant 78 : i32
    %scan3A_44 = arith.addi %scan3A_42, %scan3A_43 : i32
    %scan3A_45 = arith.constant 1 : i32
    scf.for %scan3A_61 = %scan3A_42 to %scan3A_44 step %scan3A_45  : i32 {
      %mul3A_62 = arith.constant 4 : i32
      %mul3A_63 = arith.muli %scan3A_61, %mul3A_62 : i32
      %add3A_64 = arith.constant 0 : i32
      %add3A_65 = arith.addi %mul3A_63, %add3A_64 : i32
      %mul3A_66 = arith.constant 16 : i32
      %mul3A_67 = arith.muli %add3A_65, %mul3A_66 : i32
      %get3A_68 = arith.index_cast %mul3A_67 : i32 to index
      %get3A_69 = tpu.vector_load %arg7[%get3A_68] {strides = array<i32>} : memref<5008xi32, #tpu.memory_space<vmem>>, vector<16xi32>,
      %get3A_70 = arith.index_cast %mul3A_67 : i32 to index
      %get3A_71 = tpu.vector_load %arg8[%get3A_70] {strides = array<i32>} : memref<5008xi32, #tpu.memory_space<vmem>>, vector<16xi32>,
      %gather3A_72 = tpu.vector_load_idx %arg5[%broadcast_in_dim3A_34, %get3A_69] : memref<4x10000xf32, #tpu.memory_space<vmem>>[vector<16xi32>, vector<16xi32>], vector<16xf32>,
      tpu.vector_store_idx %arg6[%broadcast_in_dim3A_34, %get3A_71], %gather3A_72 {add = true} : memref<4x10000xf32, #tpu.memory_space<vmem>>[vector<16xi32>, vector<16xi32>], vector<16xf32>,
      %gather3A_73 = tpu.vector_load_idx %arg5[%broadcast_in_dim3A_36, %get3A_69] : memref<4x10000xf32, #tpu.memory_space<vmem>>[vector<16xi32>, vector<16xi32>], vector<16xf32>,
      tpu.vector_store_idx %arg6[%broadcast_in_dim3A_36, %get3A_71], %gather3A_73 {add = true} : memref<4x10000xf32, #tpu.memory_space<vmem>>[vector<16xi32>, vector<16xi32>], vector<16xf32>,
      %gather3A_74 = tpu.vector_load_idx %arg5[%broadcast_in_dim3A_38, %get3A_69] : memref<4x10000xf32, #tpu.memory_space<vmem>>[vector<16xi32>, vector<16xi32>], vector<16xf32>,
      tpu.vector_store_idx %arg6[%broadcast_in_dim3A_38, %get3A_71], %gather3A_74 {add = true} : memref<4x10000xf32, #tpu.memory_space<vmem>>[vector<16xi32>, vector<16xi32>], vector<16xf32>,
      %gather3A_75 = tpu.vector_load_idx %arg5[%broadcast_in_dim3A_40, %get3A_69] : memref<4x10000xf32, #tpu.memory_space<vmem>>[vector<16xi32>, vector<16xi32>], vector<16xf32>,
      tpu.vector_store_idx %arg6[%broadcast_in_dim3A_40, %get3A_71], %gather3A_75 {add = true} : memref<4x10000xf32, #tpu.memory_space<vmem>>[vector<16xi32>, vector<16xi32>], vector<16xf32>,
      %mul3A_76 = arith.constant 4 : i32
      %mul3A_77 = arith.muli %scan3A_61, %mul3A_76 : i32
      %add3A_78 = arith.constant 1 : i32
      %add3A_79 = arith.addi %mul3A_77, %add3A_78 : i32
      %mul3A_80 = arith.constant 16 : i32
      %mul3A_81 = arith.muli %add3A_79, %mul3A_80 : i32
      %get3A_82 = arith.index_cast %mul3A_81 : i32 to index
      %get3A_83 = tpu.vector_load %arg7[%get3A_82] {strides = array<i32>} : memref<5008xi32, #tpu.memory_space<vmem>>, vector<16xi32>,
      %get3A_84 = arith.index_cast %mul3A_81 : i32 to index
      %get3A_85 = tpu.vector_load %arg8[%get3A_84] {strides = array<i32>} : memref<5008xi32, #tpu.memory_space<vmem>>, vector<16xi32>,
      %gather3A_86 = tpu.vector_load_idx %arg5[%broadcast_in_dim3A_34, %get3A_83] : memref<4x10000xf32, #tpu.memory_space<vmem>>[vector<16xi32>, vector<16xi32>], vector<16xf32>,
      tpu.vector_store_idx %arg6[%broadcast_in_dim3A_34, %get3A_85], %gather3A_86 {add = true} : memref<4x10000xf32, #tpu.memory_space<vmem>>[vector<16xi32>, vector<16xi32>], vector<16xf32>,
      %gather3A_87 = tpu.vector_load_idx %arg5[%broadcast_in_dim3A_36, %get3A_83] : memref<4x10000xf32, #tpu.memory_space<vmem>>[vector<16xi32>, vector<16xi32>], vector<16xf32>,
      tpu.vector_store_idx %arg6[%broadcast_in_dim3A_36, %get3A_85], %gather3A_87 {add = true} : memref<4x10000xf32, #tpu.memory_space<vmem>>[vector<16xi32>, vector<16xi32>], vector<16xf32>,
      %gather3A_88 = tpu.vector_load_idx %arg5[%broadcast_in_dim3A_38, %get3A_83] : memref<4x10000xf32, #tpu.memory_space<vmem>>[vector<16xi32>, vector<16xi32>], vector<16xf32>,
      tpu.vector_store_idx %arg6[%broadcast_in_dim3A_38, %get3A_85], %gather3A_88 {add = true} : memref<4x10000xf32, #tpu.memory_space<vmem>>[vector<16xi32>, vector<16xi32>], vector<16xf32>,
      %gather3A_89 = tpu.vector_load_idx %arg5[%broadcast_in_dim3A_40, %get3A_83] : memref<4x10000xf32, #tpu.memory_space<vmem>>[vector<16xi32>, vector<16xi32>], vector<16xf32>,
      tpu.vector_store_idx %arg6[%broadcast_in_dim3A_40, %get3A_85], %gather3A_89 {add = true} : memref<4x10000xf32, #tpu.memory_space<vmem>>[vector<16xi32>, vector<16xi32>], vector<16xf32>,
      %mul3A_90 = arith.constant 4 : i32
      %mul3A_91 = arith.muli %scan3A_61, %mul3A_90 : i32
      %add3A_92 = arith.constant 2 : i32
      %add3A_93 = arith.addi %mul3A_91, %add3A_92 : i32
      %mul3A_94 = arith.constant 16 : i32
      %mul3A_95 = arith.muli %add3A_93, %mul3A_94 : i32
      %get3A_96 = arith.index_cast %mul3A_95 : i32 to index
      %get3A_97 = tpu.vector_load %arg7[%get3A_96] {strides = array<i32>} : memref<5008xi32, #tpu.memory_space<vmem>>, vector<16xi32>,
      %get3A_98 = arith.index_cast %mul3A_95 : i32 to index
      %get3A_99 = tpu.vector_load %arg8[%get3A_98] {strides = array<i32>} : memref<5008xi32, #tpu.memory_space<vmem>>, vector<16xi32>,
      %gather3A_100 = tpu.vector_load_idx %arg5[%broadcast_in_dim3A_34, %get3A_97] : memref<4x10000xf32, #tpu.memory_space<vmem>>[vector<16xi32>, vector<16xi32>], vector<16xf32>,
      tpu.vector_store_idx %arg6[%broadcast_in_dim3A_34, %get3A_99], %gather3A_100 {add = true} : memref<4x10000xf32, #tpu.memory_space<vmem>>[vector<16xi32>, vector<16xi32>], vector<16xf32>,
      %gather3A_101 = tpu.vector_load_idx %arg5[%broadcast_in_dim3A_36, %get3A_97] : memref<4x10000xf32, #tpu.memory_space<vmem>>[vector<16xi32>, vector<16xi32>], vector<16xf32>,
      tpu.vector_store_idx %arg6[%broadcast_in_dim3A_36, %get3A_99], %gather3A_101 {add = true} : memref<4x10000xf32, #tpu.memory_space<vmem>>[vector<16xi32>, vector<16xi32>], vector<16xf32>,
      %gather3A_102 = tpu.vector_load_idx %arg5[%broadcast_in_dim3A_38, %get3A_97] : memref<4x10000xf32, #tpu.memory_space<vmem>>[vector<16xi32>, vector<16xi32>], vector<16xf32>,
      tpu.vector_store_idx %arg6[%broadcast_in_dim3A_38, %get3A_99], %gather3A_102 {add = true} : memref<4x10000xf32, #tpu.memory_space<vmem>>[vector<16xi32>, vector<16xi32>], vector<16xf32>,
      %gather3A_103 = tpu.vector_load_idx %arg5[%broadcast_in_dim3A_40, %get3A_97] : memref<4x10000xf32, #tpu.memory_space<vmem>>[vector<16xi32>, vector<16xi32>], vector<16xf32>,
      tpu.vector_store_idx %arg6[%broadcast_in_dim3A_40, %get3A_99], %gather3A_103 {add = true} : memref<4x10000xf32, #tpu.memory_space<vmem>>[vector<16xi32>, vector<16xi32>], vector<16xf32>,
      %mul3A_104 = arith.constant 4 : i32
      %mul3A_105 = arith.muli %scan3A_61, %mul3A_104 : i32
      %add3A_106 = arith.constant 3 : i32
      %add3A_107 = arith.addi %mul3A_105, %add3A_106 : i32
      %mul3A_108 = arith.constant 16 : i32
      %mul3A_109 = arith.muli %add3A_107, %mul3A_108 : i32
      %get3A_110 = arith.index_cast %mul3A_109 : i32 to index
      %get3A_111 = tpu.vector_load %arg7[%get3A_110] {strides = array<i32>} : memref<5008xi32, #tpu.memory_space<vmem>>, vector<16xi32>,
      %get3A_112 = arith.index_cast %mul3A_109 : i32 to index
      %get3A_113 = tpu.vector_load %arg8[%get3A_112] {strides = array<i32>} : memref<5008xi32, #tpu.memory_space<vmem>>, vector<16xi32>,
      %gather3A_114 = tpu.vector_load_idx %arg5[%broadcast_in_dim3A_34, %get3A_111] : memref<4x10000xf32, #tpu.memory_space<vmem>>[vector<16xi32>, vector<16xi32>], vector<16xf32>,
      tpu.vector_store_idx %arg6[%broadcast_in_dim3A_34, %get3A_113], %gather3A_114 {add = true} : memref<4x10000xf32, #tpu.memory_space<vmem>>[vector<16xi32>, vector<16xi32>], vector<16xf32>,
      %gather3A_115 = tpu.vector_load_idx %arg5[%broadcast_in_dim3A_36, %get3A_111] : memref<4x10000xf32, #tpu.memory_space<vmem>>[vector<16xi32>, vector<16xi32>], vector<16xf32>,
      tpu.vector_store_idx %arg6[%broadcast_in_dim3A_36, %get3A_113], %gather3A_115 {add = true} : memref<4x10000xf32, #tpu.memory_space<vmem>>[vector<16xi32>, vector<16xi32>], vector<16xf32>,
      %gather3A_116 = tpu.vector_load_idx %arg5[%broadcast_in_dim3A_38, %get3A_111] : memref<4x10000xf32, #tpu.memory_space<vmem>>[vector<16xi32>, vector<16xi32>], vector<16xf32>,
      tpu.vector_store_idx %arg6[%broadcast_in_dim3A_38, %get3A_113], %gather3A_116 {add = true} : memref<4x10000xf32, #tpu.memory_space<vmem>>[vector<16xi32>, vector<16xi32>], vector<16xf32>,
      %gather3A_117 = tpu.vector_load_idx %arg5[%broadcast_in_dim3A_40, %get3A_111] : memref<4x10000xf32, #tpu.memory_space<vmem>>[vector<16xi32>, vector<16xi32>], vector<16xf32>,
      tpu.vector_store_idx %arg6[%broadcast_in_dim3A_40, %get3A_113], %gather3A_117 {add = true} : memref<4x10000xf32, #tpu.memory_space<vmem>>[vector<16xi32>, vector<16xi32>], vector<16xf32>,
    }
    %scan3A_46 = arith.constant 78 : i32
    %iota3A = tpu.iota {dimensions = array<i32: 0>} : vector<16xi32>
    %lt3A = arith.constant 8 : i32
    %lt3A_47 = vector.broadcast %lt3A : i32 to vector<16xi32>
    %lt3A_48 = arith.cmpi slt, %iota3A, %lt3A_47 : vector<16xi32>
    %get3A = arith.constant 4992 : index
    %get3A_49 = tpu.vector_load %arg7[%get3A] {strides = array<i32>} : memref<5008xi32, #tpu.memory_space<vmem>>, vector<16xi32>,
    %jit3A = arith.constant 0 : i32
    %broadcast_in_dim3A_50 = vector.broadcast %jit3A : i32 to vector<16xi32>
    %select_n3A = arith.select %lt3A_48, %get3A_49, %broadcast_in_dim3A_50 : vector<16xi1>, vector<16xi32>
    %get3A_51 = arith.constant 4992 : index
    %get3A_52 = tpu.vector_load %arg8[%get3A_51] {strides = array<i32>} : memref<5008xi32, #tpu.memory_space<vmem>>, vector<16xi32>,
    %jit3A_53 = arith.constant 0 : i32
    %broadcast_in_dim3A_54 = vector.broadcast %jit3A_53 : i32 to vector<16xi32>
    %select_n3A_55 = arith.select %lt3A_48, %get3A_52, %broadcast_in_dim3A_54 : vector<16xi1>, vector<16xi32>
    %gather3A = tpu.vector_load_idx %arg5[%broadcast_in_dim3A_34, %select_n3A] : memref<4x10000xf32, #tpu.memory_space<vmem>>[vector<16xi32>, vector<16xi32>], vector<16xf32>,
    tpu.vector_store_idx %arg6[%broadcast_in_dim3A_34, %select_n3A_55], %gather3A masked %lt3A_48 {add = true} : memref<4x10000xf32, #tpu.memory_space<vmem>>[vector<16xi32>, vector<16xi32>], vector<16xf32>, vector<16xi1>
    %gather3A_56 = tpu.vector_load_idx %arg5[%broadcast_in_dim3A_36, %select_n3A] : memref<4x10000xf32, #tpu.memory_space<vmem>>[vector<16xi32>, vector<16xi32>], vector<16xf32>,
    tpu.vector_store_idx %arg6[%broadcast_in_dim3A_36, %select_n3A_55], %gather3A_56 masked %lt3A_48 {add = true} : memref<4x10000xf32, #tpu.memory_space<vmem>>[vector<16xi32>, vector<16xi32>], vector<16xf32>, vector<16xi1>
    %gather3A_57 = tpu.vector_load_idx %arg5[%broadcast_in_dim3A_38, %select_n3A] : memref<4x10000xf32, #tpu.memory_space<vmem>>[vector<16xi32>, vector<16xi32>], vector<16xf32>,
    tpu.vector_store_idx %arg6[%broadcast_in_dim3A_38, %select_n3A_55], %gather3A_57 masked %lt3A_48 {add = true} : memref<4x10000xf32, #tpu.memory_space<vmem>>[vector<16xi32>, vector<16xi32>], vector<16xf32>, vector<16xi1>
    %gather3A_58 = tpu.vector_load_idx %arg5[%broadcast_in_dim3A_40, %select_n3A] : memref<4x10000xf32, #tpu.memory_space<vmem>>[vector<16xi32>, vector<16xi32>], vector<16xf32>,
    tpu.vector_store_idx %arg6[%broadcast_in_dim3A_40, %select_n3A_55], %gather3A_58 masked %lt3A_48 {add = true} : memref<4x10000xf32, #tpu.memory_space<vmem>>[vector<16xi32>, vector<16xi32>], vector<16xf32>, vector<16xi1>
    %mul3A_59 = arith.constant 4 : i32
    %mul3A_60 = arith.muli %add3A, %mul3A_59 : i32
    "tpu.region"() ({
      %run_scoped3A = tpu.sem_alloc : memref<!tpu.dma_semaphore, #tpu.memory_space<semaphore_mem>>
      %dma_start3A_61 = arith.constant 0 : i32
      %dma_start3A_62 = tpu.memref_slice %arg4[%mul3A_60, %dma_start3A_61] : memref<128x10000xf32, #tpu.memory_space<hbm>> -> memref<4x10000xf32, #tpu.memory_space<hbm>>
      %dma_start3A_63 = arith.constant 0 : i32
      %dma_start3A_64 = tpu.memref_slice %arg4[%mul3A_60, %dma_start3A_63] : memref<128x10000xf32, #tpu.memory_space<hbm>> -> memref<4x10000xf32, #tpu.memory_space<hbm>>
      tpu.enqueue_dma source(%arg6 : memref<4x10000xf32, #tpu.memory_space<vmem>>) target(%dma_start3A_64 : memref<4x10000xf32, #tpu.memory_space<hbm>>) target_semaphore(%run_scoped3A : memref<!tpu.dma_semaphore, #tpu.memory_space<semaphore_mem>>)
      %dma_wait3A_65 = arith.constant 0 : i32
      %dma_wait3A_66 = tpu.memref_slice %arg4[%mul3A_60, %dma_wait3A_65] : memref<128x10000xf32, #tpu.memory_space<hbm>> -> memref<4x10000xf32, #tpu.memory_space<hbm>>
      %dma_wait3A_67 = arith.constant 0 : i32
      %dma_wait3A_68 = tpu.memref_slice %arg4[%mul3A_60, %dma_wait3A_67] : memref<128x10000xf32, #tpu.memory_space<hbm>> -> memref<4x10000xf32, #tpu.memory_space<hbm>>
      tpu.wait_dma2 semaphore(%run_scoped3A : memref<!tpu.dma_semaphore, #tpu.memory_space<semaphore_mem>>) src(%arg6 : memref<4x10000xf32, #tpu.memory_space<vmem>>) dst(%dma_wait3A_68 : memref<4x10000xf32, #tpu.memory_space<hbm>>)
      tpu.yield
    }) : () -> ()
    return
  }
}

#map = affine_map<(d0, d1) -> (0, 0)>
#map1 = affine_map<(d0, d1) -> (0)>
module attributes {stable_mosaic.version = 14 : i64} {
  func.func @edge_agg(%arg0: i32, %arg1: i32, %arg2: memref<4x10000xf32, #tpu.memory_space<hbm>>, %arg3: memref<320000xi32, #tpu.memory_space<hbm>>, %arg4: memref<128x10000xf32, #tpu.memory_space<hbm>>, %arg5: memref<4x10000xf32, #tpu.memory_space<vmem>>, %arg6: memref<4x10000xf32, #tpu.memory_space<vmem>>, %arg7: memref<5008xi32, #tpu.memory_space<vmem>>, %arg8: memref<5008xi32, #tpu.memory_space<vmem>>, %arg9: memref<!tpu.dma_semaphore, #tpu.memory_space<semaphore_mem>>, %arg10: memref<!tpu.dma_semaphore, #tpu.memory_space<semaphore_mem>>, %arg11: memref<!tpu.dma_semaphore, #tpu.memory_space<semaphore_mem>>) attributes {dimension_semantics = [#tpu.dimension_semantics<core_parallel>, #tpu.dimension_semantics<subcore_parallel>], iteration_bounds = array<i64: 2, 16>, scalar_prefetch = 0 : i64, scratch_operands = 7 : i64, tpu.core_type = #tpu.core_type<sc_vector_subcore>, window_params = [{transform_indices = #map}, {transform_indices = #map1}, {transform_indices = #map}]} {
    %mul3A = arith.constant 2 : i32
    %mul3A_0 = arith.muli %arg1, %mul3A : i32
    %add3A = arith.addi %mul3A_0, %arg0 : i32
    %mul3A_1 = arith.constant 5000 : i32
    %mul3A_2 = arith.muli %add3A, %mul3A_1 : i32
    tpu.enqueue_dma source(%arg2 : memref<4x10000xf32, #tpu.memory_space<hbm>>) target(%arg5 : memref<4x10000xf32, #tpu.memory_space<vmem>>) target_semaphore(%arg9 : memref<!tpu.dma_semaphore, #tpu.memory_space<semaphore_mem>>)
    %dma_start3A = arith.constant 0 : i32
    %dma_start3A_3 = tpu.memref_slice %arg7[%dma_start3A] : memref<5008xi32, #tpu.memory_space<vmem>> -> memref<5000xi32, #tpu.memory_space<vmem>>
    %dma_start3A_4 = tpu.memref_slice %arg3[%mul3A_2] : memref<320000xi32, #tpu.memory_space<hbm>> -> memref<5000xi32, #tpu.memory_space<hbm>>
    %dma_start3A_5 = arith.constant 0 : i32
    %dma_start3A_6 = tpu.memref_slice %arg7[%dma_start3A_5] : memref<5008xi32, #tpu.memory_space<vmem>> -> memref<5000xi32, #tpu.memory_space<vmem>>
    %dma_start3A_7 = tpu.memref_slice %arg3[%mul3A_2] : memref<320000xi32, #tpu.memory_space<hbm>> -> memref<5000xi32, #tpu.memory_space<hbm>>
    tpu.enqueue_dma source(%dma_start3A_7 : memref<5000xi32, #tpu.memory_space<hbm>>) target(%dma_start3A_6 : memref<5000xi32, #tpu.memory_space<vmem>>) target_semaphore(%arg10 : memref<!tpu.dma_semaphore, #tpu.memory_space<semaphore_mem>>)
    %add3A_8 = arith.constant 160000 : i32
    %add3A_9 = arith.addi %add3A_8, %mul3A_2 : i32
    %dma_start3A_10 = arith.constant 0 : i32
    %dma_start3A_11 = tpu.memref_slice %arg8[%dma_start3A_10] : memref<5008xi32, #tpu.memory_space<vmem>> -> memref<5000xi32, #tpu.memory_space<vmem>>
    %dma_start3A_12 = tpu.memref_slice %arg3[%add3A_9] : memref<320000xi32, #tpu.memory_space<hbm>> -> memref<5000xi32, #tpu.memory_space<hbm>>
    %dma_start3A_13 = arith.constant 0 : i32
    %dma_start3A_14 = tpu.memref_slice %arg8[%dma_start3A_13] : memref<5008xi32, #tpu.memory_space<vmem>> -> memref<5000xi32, #tpu.memory_space<vmem>>
    %dma_start3A_15 = tpu.memref_slice %arg3[%add3A_9] : memref<320000xi32, #tpu.memory_space<hbm>> -> memref<5000xi32, #tpu.memory_space<hbm>>
    tpu.enqueue_dma source(%dma_start3A_15 : memref<5000xi32, #tpu.memory_space<hbm>>) target(%dma_start3A_14 : memref<5000xi32, #tpu.memory_space<vmem>>) target_semaphore(%arg11 : memref<!tpu.dma_semaphore, #tpu.memory_space<semaphore_mem>>)
    %broadcast_in_dim3A = arith.constant 0.000000e+00 : f32
    %broadcast_in_dim3A_16 = vector.broadcast %broadcast_in_dim3A : f32 to vector<16xf32>
    %scan3A = arith.constant 0 : i32
    %scan3A_17 = arith.constant 0 : i32
    %scan3A_18 = arith.constant 125 : i32
    %scan3A_19 = arith.addi %scan3A_17, %scan3A_18 : i32
    %scan3A_20 = arith.constant 1 : i32
    scf.for %scan3A_61 = %scan3A_17 to %scan3A_19 step %scan3A_20  : i32 {
      %mul3A_62 = arith.constant 5 : i32
      %mul3A_63 = arith.muli %scan3A_61, %mul3A_62 : i32
      %add3A_64 = arith.constant 0 : i32
      %add3A_65 = arith.addi %mul3A_63, %add3A_64 : i32
      %mul3A_66 = arith.constant 16 : i32
      %mul3A_67 = arith.muli %add3A_65, %mul3A_66 : i32
      %swap3A = arith.constant 0 : i32
      %swap3A_68 = arith.index_cast %swap3A : i32 to index
      %swap3A_69 = arith.index_cast %mul3A_67 : i32 to index
      %swap3A_70 = tpu.vector_load %arg6[%swap3A_68, %swap3A_69] {strides = array<i32>} : memref<4x10000xf32, #tpu.memory_space<vmem>>, vector<16xf32>,
      tpu.vector_store %arg6[%swap3A_68, %swap3A_69], %broadcast_in_dim3A_16 {strides = array<i32>} : memref<4x10000xf32, #tpu.memory_space<vmem>>, vector<16xf32>,
      %mul3A_71 = arith.constant 5 : i32
      %mul3A_72 = arith.muli %scan3A_61, %mul3A_71 : i32
      %add3A_73 = arith.constant 0 : i32
      %add3A_74 = arith.addi %mul3A_72, %add3A_73 : i32
      %mul3A_75 = arith.constant 16 : i32
      %mul3A_76 = arith.muli %add3A_74, %mul3A_75 : i32
      %swap3A_77 = arith.constant 1 : i32
      %swap3A_78 = arith.index_cast %swap3A_77 : i32 to index
      %swap3A_79 = arith.index_cast %mul3A_76 : i32 to index
      %swap3A_80 = tpu.vector_load %arg6[%swap3A_78, %swap3A_79] {strides = array<i32>} : memref<4x10000xf32, #tpu.memory_space<vmem>>, vector<16xf32>,
      tpu.vector_store %arg6[%swap3A_78, %swap3A_79], %broadcast_in_dim3A_16 {strides = array<i32>} : memref<4x10000xf32, #tpu.memory_space<vmem>>, vector<16xf32>,
      %mul3A_81 = arith.constant 5 : i32
      %mul3A_82 = arith.muli %scan3A_61, %mul3A_81 : i32
      %add3A_83 = arith.constant 0 : i32
      %add3A_84 = arith.addi %mul3A_82, %add3A_83 : i32
      %mul3A_85 = arith.constant 16 : i32
      %mul3A_86 = arith.muli %add3A_84, %mul3A_85 : i32
      %swap3A_87 = arith.constant 2 : i32
      %swap3A_88 = arith.index_cast %swap3A_87 : i32 to index
      %swap3A_89 = arith.index_cast %mul3A_86 : i32 to index
      %swap3A_90 = tpu.vector_load %arg6[%swap3A_88, %swap3A_89] {strides = array<i32>} : memref<4x10000xf32, #tpu.memory_space<vmem>>, vector<16xf32>,
      tpu.vector_store %arg6[%swap3A_88, %swap3A_89], %broadcast_in_dim3A_16 {strides = array<i32>} : memref<4x10000xf32, #tpu.memory_space<vmem>>, vector<16xf32>,
      %mul3A_91 = arith.constant 5 : i32
      %mul3A_92 = arith.muli %scan3A_61, %mul3A_91 : i32
      %add3A_93 = arith.constant 0 : i32
      %add3A_94 = arith.addi %mul3A_92, %add3A_93 : i32
      %mul3A_95 = arith.constant 16 : i32
      %mul3A_96 = arith.muli %add3A_94, %mul3A_95 : i32
      %swap3A_97 = arith.constant 3 : i32
      %swap3A_98 = arith.index_cast %swap3A_97 : i32 to index
      %swap3A_99 = arith.index_cast %mul3A_96 : i32 to index
      %swap3A_100 = tpu.vector_load %arg6[%swap3A_98, %swap3A_99] {strides = array<i32>} : memref<4x10000xf32, #tpu.memory_space<vmem>>, vector<16xf32>,
      tpu.vector_store %arg6[%swap3A_98, %swap3A_99], %broadcast_in_dim3A_16 {strides = array<i32>} : memref<4x10000xf32, #tpu.memory_space<vmem>>, vector<16xf32>,
      %mul3A_101 = arith.constant 5 : i32
      %mul3A_102 = arith.muli %scan3A_61, %mul3A_101 : i32
      %add3A_103 = arith.constant 1 : i32
      %add3A_104 = arith.addi %mul3A_102, %add3A_103 : i32
      %mul3A_105 = arith.constant 16 : i32
      %mul3A_106 = arith.muli %add3A_104, %mul3A_105 : i32
      %swap3A_107 = arith.constant 0 : i32
      %swap3A_108 = arith.index_cast %swap3A_107 : i32 to index
      %swap3A_109 = arith.index_cast %mul3A_106 : i32 to index
      %swap3A_110 = tpu.vector_load %arg6[%swap3A_108, %swap3A_109] {strides = array<i32>} : memref<4x10000xf32, #tpu.memory_space<vmem>>, vector<16xf32>,
      tpu.vector_store %arg6[%swap3A_108, %swap3A_109], %broadcast_in_dim3A_16 {strides = array<i32>} : memref<4x10000xf32, #tpu.memory_space<vmem>>, vector<16xf32>,
      %mul3A_111 = arith.constant 5 : i32
      %mul3A_112 = arith.muli %scan3A_61, %mul3A_111 : i32
      %add3A_113 = arith.constant 1 : i32
      %add3A_114 = arith.addi %mul3A_112, %add3A_113 : i32
      %mul3A_115 = arith.constant 16 : i32
      %mul3A_116 = arith.muli %add3A_114, %mul3A_115 : i32
      %swap3A_117 = arith.constant 1 : i32
      %swap3A_118 = arith.index_cast %swap3A_117 : i32 to index
      %swap3A_119 = arith.index_cast %mul3A_116 : i32 to index
      %swap3A_120 = tpu.vector_load %arg6[%swap3A_118, %swap3A_119] {strides = array<i32>} : memref<4x10000xf32, #tpu.memory_space<vmem>>, vector<16xf32>,
      tpu.vector_store %arg6[%swap3A_118, %swap3A_119], %broadcast_in_dim3A_16 {strides = array<i32>} : memref<4x10000xf32, #tpu.memory_space<vmem>>, vector<16xf32>,
      %mul3A_121 = arith.constant 5 : i32
      %mul3A_122 = arith.muli %scan3A_61, %mul3A_121 : i32
      %add3A_123 = arith.constant 1 : i32
      %add3A_124 = arith.addi %mul3A_122, %add3A_123 : i32
      %mul3A_125 = arith.constant 16 : i32
      %mul3A_126 = arith.muli %add3A_124, %mul3A_125 : i32
      %swap3A_127 = arith.constant 2 : i32
      %swap3A_128 = arith.index_cast %swap3A_127 : i32 to index
      %swap3A_129 = arith.index_cast %mul3A_126 : i32 to index
      %swap3A_130 = tpu.vector_load %arg6[%swap3A_128, %swap3A_129] {strides = array<i32>} : memref<4x10000xf32, #tpu.memory_space<vmem>>, vector<16xf32>,
      tpu.vector_store %arg6[%swap3A_128, %swap3A_129], %broadcast_in_dim3A_16 {strides = array<i32>} : memref<4x10000xf32, #tpu.memory_space<vmem>>, vector<16xf32>,
      %mul3A_131 = arith.constant 5 : i32
      %mul3A_132 = arith.muli %scan3A_61, %mul3A_131 : i32
      %add3A_133 = arith.constant 1 : i32
      %add3A_134 = arith.addi %mul3A_132, %add3A_133 : i32
      %mul3A_135 = arith.constant 16 : i32
      %mul3A_136 = arith.muli %add3A_134, %mul3A_135 : i32
      %swap3A_137 = arith.constant 3 : i32
      %swap3A_138 = arith.index_cast %swap3A_137 : i32 to index
      %swap3A_139 = arith.index_cast %mul3A_136 : i32 to index
      %swap3A_140 = tpu.vector_load %arg6[%swap3A_138, %swap3A_139] {strides = array<i32>} : memref<4x10000xf32, #tpu.memory_space<vmem>>, vector<16xf32>,
      tpu.vector_store %arg6[%swap3A_138, %swap3A_139], %broadcast_in_dim3A_16 {strides = array<i32>} : memref<4x10000xf32, #tpu.memory_space<vmem>>, vector<16xf32>,
      %mul3A_141 = arith.constant 5 : i32
      %mul3A_142 = arith.muli %scan3A_61, %mul3A_141 : i32
      %add3A_143 = arith.constant 2 : i32
      %add3A_144 = arith.addi %mul3A_142, %add3A_143 : i32
      %mul3A_145 = arith.constant 16 : i32
      %mul3A_146 = arith.muli %add3A_144, %mul3A_145 : i32
      %swap3A_147 = arith.constant 0 : i32
      %swap3A_148 = arith.index_cast %swap3A_147 : i32 to index
      %swap3A_149 = arith.index_cast %mul3A_146 : i32 to index
      %swap3A_150 = tpu.vector_load %arg6[%swap3A_148, %swap3A_149] {strides = array<i32>} : memref<4x10000xf32, #tpu.memory_space<vmem>>, vector<16xf32>,
      tpu.vector_store %arg6[%swap3A_148, %swap3A_149], %broadcast_in_dim3A_16 {strides = array<i32>} : memref<4x10000xf32, #tpu.memory_space<vmem>>, vector<16xf32>,
      %mul3A_151 = arith.constant 5 : i32
      %mul3A_152 = arith.muli %scan3A_61, %mul3A_151 : i32
      %add3A_153 = arith.constant 2 : i32
      %add3A_154 = arith.addi %mul3A_152, %add3A_153 : i32
      %mul3A_155 = arith.constant 16 : i32
      %mul3A_156 = arith.muli %add3A_154, %mul3A_155 : i32
      %swap3A_157 = arith.constant 1 : i32
      %swap3A_158 = arith.index_cast %swap3A_157 : i32 to index
      %swap3A_159 = arith.index_cast %mul3A_156 : i32 to index
      %swap3A_160 = tpu.vector_load %arg6[%swap3A_158, %swap3A_159] {strides = array<i32>} : memref<4x10000xf32, #tpu.memory_space<vmem>>, vector<16xf32>,
      tpu.vector_store %arg6[%swap3A_158, %swap3A_159], %broadcast_in_dim3A_16 {strides = array<i32>} : memref<4x10000xf32, #tpu.memory_space<vmem>>, vector<16xf32>,
      %mul3A_161 = arith.constant 5 : i32
      %mul3A_162 = arith.muli %scan3A_61, %mul3A_161 : i32
      %add3A_163 = arith.constant 2 : i32
      %add3A_164 = arith.addi %mul3A_162, %add3A_163 : i32
      %mul3A_165 = arith.constant 16 : i32
      %mul3A_166 = arith.muli %add3A_164, %mul3A_165 : i32
      %swap3A_167 = arith.constant 2 : i32
      %swap3A_168 = arith.index_cast %swap3A_167 : i32 to index
      %swap3A_169 = arith.index_cast %mul3A_166 : i32 to index
      %swap3A_170 = tpu.vector_load %arg6[%swap3A_168, %swap3A_169] {strides = array<i32>} : memref<4x10000xf32, #tpu.memory_space<vmem>>, vector<16xf32>,
      tpu.vector_store %arg6[%swap3A_168, %swap3A_169], %broadcast_in_dim3A_16 {strides = array<i32>} : memref<4x10000xf32, #tpu.memory_space<vmem>>, vector<16xf32>,
      %mul3A_171 = arith.constant 5 : i32
      %mul3A_172 = arith.muli %scan3A_61, %mul3A_171 : i32
      %add3A_173 = arith.constant 2 : i32
      %add3A_174 = arith.addi %mul3A_172, %add3A_173 : i32
      %mul3A_175 = arith.constant 16 : i32
      %mul3A_176 = arith.muli %add3A_174, %mul3A_175 : i32
      %swap3A_177 = arith.constant 3 : i32
      %swap3A_178 = arith.index_cast %swap3A_177 : i32 to index
      %swap3A_179 = arith.index_cast %mul3A_176 : i32 to index
      %swap3A_180 = tpu.vector_load %arg6[%swap3A_178, %swap3A_179] {strides = array<i32>} : memref<4x10000xf32, #tpu.memory_space<vmem>>, vector<16xf32>,
      tpu.vector_store %arg6[%swap3A_178, %swap3A_179], %broadcast_in_dim3A_16 {strides = array<i32>} : memref<4x10000xf32, #tpu.memory_space<vmem>>, vector<16xf32>,
      %mul3A_181 = arith.constant 5 : i32
      %mul3A_182 = arith.muli %scan3A_61, %mul3A_181 : i32
      %add3A_183 = arith.constant 3 : i32
      %add3A_184 = arith.addi %mul3A_182, %add3A_183 : i32
      %mul3A_185 = arith.constant 16 : i32
      %mul3A_186 = arith.muli %add3A_184, %mul3A_185 : i32
      %swap3A_187 = arith.constant 0 : i32
      %swap3A_188 = arith.index_cast %swap3A_187 : i32 to index
      %swap3A_189 = arith.index_cast %mul3A_186 : i32 to index
      %swap3A_190 = tpu.vector_load %arg6[%swap3A_188, %swap3A_189] {strides = array<i32>} : memref<4x10000xf32, #tpu.memory_space<vmem>>, vector<16xf32>,
      tpu.vector_store %arg6[%swap3A_188, %swap3A_189], %broadcast_in_dim3A_16 {strides = array<i32>} : memref<4x10000xf32, #tpu.memory_space<vmem>>, vector<16xf32>,
      %mul3A_191 = arith.constant 5 : i32
      %mul3A_192 = arith.muli %scan3A_61, %mul3A_191 : i32
      %add3A_193 = arith.constant 3 : i32
      %add3A_194 = arith.addi %mul3A_192, %add3A_193 : i32
      %mul3A_195 = arith.constant 16 : i32
      %mul3A_196 = arith.muli %add3A_194, %mul3A_195 : i32
      %swap3A_197 = arith.constant 1 : i32
      %swap3A_198 = arith.index_cast %swap3A_197 : i32 to index
      %swap3A_199 = arith.index_cast %mul3A_196 : i32 to index
      %swap3A_200 = tpu.vector_load %arg6[%swap3A_198, %swap3A_199] {strides = array<i32>} : memref<4x10000xf32, #tpu.memory_space<vmem>>, vector<16xf32>,
      tpu.vector_store %arg6[%swap3A_198, %swap3A_199], %broadcast_in_dim3A_16 {strides = array<i32>} : memref<4x10000xf32, #tpu.memory_space<vmem>>, vector<16xf32>,
      %mul3A_201 = arith.constant 5 : i32
      %mul3A_202 = arith.muli %scan3A_61, %mul3A_201 : i32
      %add3A_203 = arith.constant 3 : i32
      %add3A_204 = arith.addi %mul3A_202, %add3A_203 : i32
      %mul3A_205 = arith.constant 16 : i32
      %mul3A_206 = arith.muli %add3A_204, %mul3A_205 : i32
      %swap3A_207 = arith.constant 2 : i32
      %swap3A_208 = arith.index_cast %swap3A_207 : i32 to index
      %swap3A_209 = arith.index_cast %mul3A_206 : i32 to index
      %swap3A_210 = tpu.vector_load %arg6[%swap3A_208, %swap3A_209] {strides = array<i32>} : memref<4x10000xf32, #tpu.memory_space<vmem>>, vector<16xf32>,
      tpu.vector_store %arg6[%swap3A_208, %swap3A_209], %broadcast_in_dim3A_16 {strides = array<i32>} : memref<4x10000xf32, #tpu.memory_space<vmem>>, vector<16xf32>,
      %mul3A_211 = arith.constant 5 : i32
      %mul3A_212 = arith.muli %scan3A_61, %mul3A_211 : i32
      %add3A_213 = arith.constant 3 : i32
      %add3A_214 = arith.addi %mul3A_212, %add3A_213 : i32
      %mul3A_215 = arith.constant 16 : i32
      %mul3A_216 = arith.muli %add3A_214, %mul3A_215 : i32
      %swap3A_217 = arith.constant 3 : i32
      %swap3A_218 = arith.index_cast %swap3A_217 : i32 to index
      %swap3A_219 = arith.index_cast %mul3A_216 : i32 to index
      %swap3A_220 = tpu.vector_load %arg6[%swap3A_218, %swap3A_219] {strides = array<i32>} : memref<4x10000xf32, #tpu.memory_space<vmem>>, vector<16xf32>,
      tpu.vector_store %arg6[%swap3A_218, %swap3A_219], %broadcast_in_dim3A_16 {strides = array<i32>} : memref<4x10000xf32, #tpu.memory_space<vmem>>, vector<16xf32>,
      %mul3A_221 = arith.constant 5 : i32
      %mul3A_222 = arith.muli %scan3A_61, %mul3A_221 : i32
      %add3A_223 = arith.constant 4 : i32
      %add3A_224 = arith.addi %mul3A_222, %add3A_223 : i32
      %mul3A_225 = arith.constant 16 : i32
      %mul3A_226 = arith.muli %add3A_224, %mul3A_225 : i32
      %swap3A_227 = arith.constant 0 : i32
      %swap3A_228 = arith.index_cast %swap3A_227 : i32 to index
      %swap3A_229 = arith.index_cast %mul3A_226 : i32 to index
      %swap3A_230 = tpu.vector_load %arg6[%swap3A_228, %swap3A_229] {strides = array<i32>} : memref<4x10000xf32, #tpu.memory_space<vmem>>, vector<16xf32>,
      tpu.vector_store %arg6[%swap3A_228, %swap3A_229], %broadcast_in_dim3A_16 {strides = array<i32>} : memref<4x10000xf32, #tpu.memory_space<vmem>>, vector<16xf32>,
      %mul3A_231 = arith.constant 5 : i32
      %mul3A_232 = arith.muli %scan3A_61, %mul3A_231 : i32
      %add3A_233 = arith.constant 4 : i32
      %add3A_234 = arith.addi %mul3A_232, %add3A_233 : i32
      %mul3A_235 = arith.constant 16 : i32
      %mul3A_236 = arith.muli %add3A_234, %mul3A_235 : i32
      %swap3A_237 = arith.constant 1 : i32
      %swap3A_238 = arith.index_cast %swap3A_237 : i32 to index
      %swap3A_239 = arith.index_cast %mul3A_236 : i32 to index
      %swap3A_240 = tpu.vector_load %arg6[%swap3A_238, %swap3A_239] {strides = array<i32>} : memref<4x10000xf32, #tpu.memory_space<vmem>>, vector<16xf32>,
      tpu.vector_store %arg6[%swap3A_238, %swap3A_239], %broadcast_in_dim3A_16 {strides = array<i32>} : memref<4x10000xf32, #tpu.memory_space<vmem>>, vector<16xf32>,
      %mul3A_241 = arith.constant 5 : i32
      %mul3A_242 = arith.muli %scan3A_61, %mul3A_241 : i32
      %add3A_243 = arith.constant 4 : i32
      %add3A_244 = arith.addi %mul3A_242, %add3A_243 : i32
      %mul3A_245 = arith.constant 16 : i32
      %mul3A_246 = arith.muli %add3A_244, %mul3A_245 : i32
      %swap3A_247 = arith.constant 2 : i32
      %swap3A_248 = arith.index_cast %swap3A_247 : i32 to index
      %swap3A_249 = arith.index_cast %mul3A_246 : i32 to index
      %swap3A_250 = tpu.vector_load %arg6[%swap3A_248, %swap3A_249] {strides = array<i32>} : memref<4x10000xf32, #tpu.memory_space<vmem>>, vector<16xf32>,
      tpu.vector_store %arg6[%swap3A_248, %swap3A_249], %broadcast_in_dim3A_16 {strides = array<i32>} : memref<4x10000xf32, #tpu.memory_space<vmem>>, vector<16xf32>,
      %mul3A_251 = arith.constant 5 : i32
      %mul3A_252 = arith.muli %scan3A_61, %mul3A_251 : i32
      %add3A_253 = arith.constant 4 : i32
      %add3A_254 = arith.addi %mul3A_252, %add3A_253 : i32
      %mul3A_255 = arith.constant 16 : i32
      %mul3A_256 = arith.muli %add3A_254, %mul3A_255 : i32
      %swap3A_257 = arith.constant 3 : i32
      %swap3A_258 = arith.index_cast %swap3A_257 : i32 to index
      %swap3A_259 = arith.index_cast %mul3A_256 : i32 to index
      %swap3A_260 = tpu.vector_load %arg6[%swap3A_258, %swap3A_259] {strides = array<i32>} : memref<4x10000xf32, #tpu.memory_space<vmem>>, vector<16xf32>,
      tpu.vector_store %arg6[%swap3A_258, %swap3A_259], %broadcast_in_dim3A_16 {strides = array<i32>} : memref<4x10000xf32, #tpu.memory_space<vmem>>, vector<16xf32>,
    }
    %scan3A_21 = arith.constant 125 : i32
    tpu.wait_dma2 semaphore(%arg9 : memref<!tpu.dma_semaphore, #tpu.memory_space<semaphore_mem>>) src(%arg2 : memref<4x10000xf32, #tpu.memory_space<hbm>>) dst(%arg5 : memref<4x10000xf32, #tpu.memory_space<vmem>>)
    %dma_wait3A = arith.constant 0 : i32
    %dma_wait3A_22 = tpu.memref_slice %arg7[%dma_wait3A] : memref<5008xi32, #tpu.memory_space<vmem>> -> memref<5000xi32, #tpu.memory_space<vmem>>
    %dma_wait3A_23 = tpu.memref_slice %arg3[%mul3A_2] : memref<320000xi32, #tpu.memory_space<hbm>> -> memref<5000xi32, #tpu.memory_space<hbm>>
    %dma_wait3A_24 = arith.constant 0 : i32
    %dma_wait3A_25 = tpu.memref_slice %arg7[%dma_wait3A_24] : memref<5008xi32, #tpu.memory_space<vmem>> -> memref<5000xi32, #tpu.memory_space<vmem>>
    %dma_wait3A_26 = tpu.memref_slice %arg3[%mul3A_2] : memref<320000xi32, #tpu.memory_space<hbm>> -> memref<5000xi32, #tpu.memory_space<hbm>>
    tpu.wait_dma2 semaphore(%arg10 : memref<!tpu.dma_semaphore, #tpu.memory_space<semaphore_mem>>) src(%dma_wait3A_26 : memref<5000xi32, #tpu.memory_space<hbm>>) dst(%dma_wait3A_25 : memref<5000xi32, #tpu.memory_space<vmem>>)
    %dma_wait3A_27 = arith.constant 0 : i32
    %dma_wait3A_28 = tpu.memref_slice %arg8[%dma_wait3A_27] : memref<5008xi32, #tpu.memory_space<vmem>> -> memref<5000xi32, #tpu.memory_space<vmem>>
    %dma_wait3A_29 = tpu.memref_slice %arg3[%add3A_9] : memref<320000xi32, #tpu.memory_space<hbm>> -> memref<5000xi32, #tpu.memory_space<hbm>>
    %dma_wait3A_30 = arith.constant 0 : i32
    %dma_wait3A_31 = tpu.memref_slice %arg8[%dma_wait3A_30] : memref<5008xi32, #tpu.memory_space<vmem>> -> memref<5000xi32, #tpu.memory_space<vmem>>
    %dma_wait3A_32 = tpu.memref_slice %arg3[%add3A_9] : memref<320000xi32, #tpu.memory_space<hbm>> -> memref<5000xi32, #tpu.memory_space<hbm>>
    tpu.wait_dma2 semaphore(%arg11 : memref<!tpu.dma_semaphore, #tpu.memory_space<semaphore_mem>>) src(%dma_wait3A_32 : memref<5000xi32, #tpu.memory_space<hbm>>) dst(%dma_wait3A_31 : memref<5000xi32, #tpu.memory_space<vmem>>)
    %broadcast_in_dim3A_33 = arith.constant 0 : i32
    %broadcast_in_dim3A_34 = vector.broadcast %broadcast_in_dim3A_33 : i32 to vector<16xi32>
    %broadcast_in_dim3A_35 = arith.constant 1 : i32
    %broadcast_in_dim3A_36 = vector.broadcast %broadcast_in_dim3A_35 : i32 to vector<16xi32>
    %broadcast_in_dim3A_37 = arith.constant 2 : i32
    %broadcast_in_dim3A_38 = vector.broadcast %broadcast_in_dim3A_37 : i32 to vector<16xi32>
    %broadcast_in_dim3A_39 = arith.constant 3 : i32
    %broadcast_in_dim3A_40 = vector.broadcast %broadcast_in_dim3A_39 : i32 to vector<16xi32>
    %scan3A_41 = arith.constant 0 : i32
    %scan3A_42 = arith.constant 0 : i32
    %scan3A_43 = arith.constant 78 : i32
    %scan3A_44 = arith.addi %scan3A_42, %scan3A_43 : i32
    %scan3A_45 = arith.constant 1 : i32
    scf.for %scan3A_61 = %scan3A_42 to %scan3A_44 step %scan3A_45  : i32 {
      %mul3A_62 = arith.constant 4 : i32
      %mul3A_63 = arith.muli %scan3A_61, %mul3A_62 : i32
      %add3A_64 = arith.constant 0 : i32
      %add3A_65 = arith.addi %mul3A_63, %add3A_64 : i32
      %mul3A_66 = arith.constant 16 : i32
      %mul3A_67 = arith.muli %add3A_65, %mul3A_66 : i32
      %get3A_68 = arith.index_cast %mul3A_67 : i32 to index
      %get3A_69 = tpu.vector_load %arg7[%get3A_68] {strides = array<i32>} : memref<5008xi32, #tpu.memory_space<vmem>>, vector<16xi32>,
      %get3A_70 = arith.index_cast %mul3A_67 : i32 to index
      %get3A_71 = tpu.vector_load %arg8[%get3A_70] {strides = array<i32>} : memref<5008xi32, #tpu.memory_space<vmem>>, vector<16xi32>,
      %gather3A_72 = tpu.vector_load_idx %arg5[%broadcast_in_dim3A_34, %get3A_69] : memref<4x10000xf32, #tpu.memory_space<vmem>>[vector<16xi32>, vector<16xi32>], vector<16xf32>,
      tpu.vector_store_idx %arg6[%broadcast_in_dim3A_34, %get3A_71], %gather3A_72 {add = true} : memref<4x10000xf32, #tpu.memory_space<vmem>>[vector<16xi32>, vector<16xi32>], vector<16xf32>,
      %gather3A_73 = tpu.vector_load_idx %arg5[%broadcast_in_dim3A_36, %get3A_69] : memref<4x10000xf32, #tpu.memory_space<vmem>>[vector<16xi32>, vector<16xi32>], vector<16xf32>,
      tpu.vector_store_idx %arg6[%broadcast_in_dim3A_36, %get3A_71], %gather3A_73 {add = true} : memref<4x10000xf32, #tpu.memory_space<vmem>>[vector<16xi32>, vector<16xi32>], vector<16xf32>,
      %gather3A_74 = tpu.vector_load_idx %arg5[%broadcast_in_dim3A_38, %get3A_69] : memref<4x10000xf32, #tpu.memory_space<vmem>>[vector<16xi32>, vector<16xi32>], vector<16xf32>,
      tpu.vector_store_idx %arg6[%broadcast_in_dim3A_38, %get3A_71], %gather3A_74 {add = true} : memref<4x10000xf32, #tpu.memory_space<vmem>>[vector<16xi32>, vector<16xi32>], vector<16xf32>,
      %gather3A_75 = tpu.vector_load_idx %arg5[%broadcast_in_dim3A_40, %get3A_69] : memref<4x10000xf32, #tpu.memory_space<vmem>>[vector<16xi32>, vector<16xi32>], vector<16xf32>,
      tpu.vector_store_idx %arg6[%broadcast_in_dim3A_40, %get3A_71], %gather3A_75 {add = true} : memref<4x10000xf32, #tpu.memory_space<vmem>>[vector<16xi32>, vector<16xi32>], vector<16xf32>,
      %mul3A_76 = arith.constant 4 : i32
      %mul3A_77 = arith.muli %scan3A_61, %mul3A_76 : i32
      %add3A_78 = arith.constant 1 : i32
      %add3A_79 = arith.addi %mul3A_77, %add3A_78 : i32
      %mul3A_80 = arith.constant 16 : i32
      %mul3A_81 = arith.muli %add3A_79, %mul3A_80 : i32
      %get3A_82 = arith.index_cast %mul3A_81 : i32 to index
      %get3A_83 = tpu.vector_load %arg7[%get3A_82] {strides = array<i32>} : memref<5008xi32, #tpu.memory_space<vmem>>, vector<16xi32>,
      %get3A_84 = arith.index_cast %mul3A_81 : i32 to index
      %get3A_85 = tpu.vector_load %arg8[%get3A_84] {strides = array<i32>} : memref<5008xi32, #tpu.memory_space<vmem>>, vector<16xi32>,
      %gather3A_86 = tpu.vector_load_idx %arg5[%broadcast_in_dim3A_34, %get3A_83] : memref<4x10000xf32, #tpu.memory_space<vmem>>[vector<16xi32>, vector<16xi32>], vector<16xf32>,
      tpu.vector_store_idx %arg6[%broadcast_in_dim3A_34, %get3A_85], %gather3A_86 {add = true} : memref<4x10000xf32, #tpu.memory_space<vmem>>[vector<16xi32>, vector<16xi32>], vector<16xf32>,
      %gather3A_87 = tpu.vector_load_idx %arg5[%broadcast_in_dim3A_36, %get3A_83] : memref<4x10000xf32, #tpu.memory_space<vmem>>[vector<16xi32>, vector<16xi32>], vector<16xf32>,
      tpu.vector_store_idx %arg6[%broadcast_in_dim3A_36, %get3A_85], %gather3A_87 {add = true} : memref<4x10000xf32, #tpu.memory_space<vmem>>[vector<16xi32>, vector<16xi32>], vector<16xf32>,
      %gather3A_88 = tpu.vector_load_idx %arg5[%broadcast_in_dim3A_38, %get3A_83] : memref<4x10000xf32, #tpu.memory_space<vmem>>[vector<16xi32>, vector<16xi32>], vector<16xf32>,
      tpu.vector_store_idx %arg6[%broadcast_in_dim3A_38, %get3A_85], %gather3A_88 {add = true} : memref<4x10000xf32, #tpu.memory_space<vmem>>[vector<16xi32>, vector<16xi32>], vector<16xf32>,
      %gather3A_89 = tpu.vector_load_idx %arg5[%broadcast_in_dim3A_40, %get3A_83] : memref<4x10000xf32, #tpu.memory_space<vmem>>[vector<16xi32>, vector<16xi32>], vector<16xf32>,
      tpu.vector_store_idx %arg6[%broadcast_in_dim3A_40, %get3A_85], %gather3A_89 {add = true} : memref<4x10000xf32, #tpu.memory_space<vmem>>[vector<16xi32>, vector<16xi32>], vector<16xf32>,
      %mul3A_90 = arith.constant 4 : i32
      %mul3A_91 = arith.muli %scan3A_61, %mul3A_90 : i32
      %add3A_92 = arith.constant 2 : i32
      %add3A_93 = arith.addi %mul3A_91, %add3A_92 : i32
      %mul3A_94 = arith.constant 16 : i32
      %mul3A_95 = arith.muli %add3A_93, %mul3A_94 : i32
      %get3A_96 = arith.index_cast %mul3A_95 : i32 to index
      %get3A_97 = tpu.vector_load %arg7[%get3A_96] {strides = array<i32>} : memref<5008xi32, #tpu.memory_space<vmem>>, vector<16xi32>,
      %get3A_98 = arith.index_cast %mul3A_95 : i32 to index
      %get3A_99 = tpu.vector_load %arg8[%get3A_98] {strides = array<i32>} : memref<5008xi32, #tpu.memory_space<vmem>>, vector<16xi32>,
      %gather3A_100 = tpu.vector_load_idx %arg5[%broadcast_in_dim3A_34, %get3A_97] : memref<4x10000xf32, #tpu.memory_space<vmem>>[vector<16xi32>, vector<16xi32>], vector<16xf32>,
      tpu.vector_store_idx %arg6[%broadcast_in_dim3A_34, %get3A_99], %gather3A_100 {add = true} : memref<4x10000xf32, #tpu.memory_space<vmem>>[vector<16xi32>, vector<16xi32>], vector<16xf32>,
      %gather3A_101 = tpu.vector_load_idx %arg5[%broadcast_in_dim3A_36, %get3A_97] : memref<4x10000xf32, #tpu.memory_space<vmem>>[vector<16xi32>, vector<16xi32>], vector<16xf32>,
      tpu.vector_store_idx %arg6[%broadcast_in_dim3A_36, %get3A_99], %gather3A_101 {add = true} : memref<4x10000xf32, #tpu.memory_space<vmem>>[vector<16xi32>, vector<16xi32>], vector<16xf32>,
      %gather3A_102 = tpu.vector_load_idx %arg5[%broadcast_in_dim3A_38, %get3A_97] : memref<4x10000xf32, #tpu.memory_space<vmem>>[vector<16xi32>, vector<16xi32>], vector<16xf32>,
      tpu.vector_store_idx %arg6[%broadcast_in_dim3A_38, %get3A_99], %gather3A_102 {add = true} : memref<4x10000xf32, #tpu.memory_space<vmem>>[vector<16xi32>, vector<16xi32>], vector<16xf32>,
      %gather3A_103 = tpu.vector_load_idx %arg5[%broadcast_in_dim3A_40, %get3A_97] : memref<4x10000xf32, #tpu.memory_space<vmem>>[vector<16xi32>, vector<16xi32>], vector<16xf32>,
      tpu.vector_store_idx %arg6[%broadcast_in_dim3A_40, %get3A_99], %gather3A_103 {add = true} : memref<4x10000xf32, #tpu.memory_space<vmem>>[vector<16xi32>, vector<16xi32>], vector<16xf32>,
      %mul3A_104 = arith.constant 4 : i32
      %mul3A_105 = arith.muli %scan3A_61, %mul3A_104 : i32
      %add3A_106 = arith.constant 3 : i32
      %add3A_107 = arith.addi %mul3A_105, %add3A_106 : i32
      %mul3A_108 = arith.constant 16 : i32
      %mul3A_109 = arith.muli %add3A_107, %mul3A_108 : i32
      %get3A_110 = arith.index_cast %mul3A_109 : i32 to index
      %get3A_111 = tpu.vector_load %arg7[%get3A_110] {strides = array<i32>} : memref<5008xi32, #tpu.memory_space<vmem>>, vector<16xi32>,
      %get3A_112 = arith.index_cast %mul3A_109 : i32 to index
      %get3A_113 = tpu.vector_load %arg8[%get3A_112] {strides = array<i32>} : memref<5008xi32, #tpu.memory_space<vmem>>, vector<16xi32>,
      %gather3A_114 = tpu.vector_load_idx %arg5[%broadcast_in_dim3A_34, %get3A_111] : memref<4x10000xf32, #tpu.memory_space<vmem>>[vector<16xi32>, vector<16xi32>], vector<16xf32>,
      tpu.vector_store_idx %arg6[%broadcast_in_dim3A_34, %get3A_113], %gather3A_114 {add = true} : memref<4x10000xf32, #tpu.memory_space<vmem>>[vector<16xi32>, vector<16xi32>], vector<16xf32>,
      %gather3A_115 = tpu.vector_load_idx %arg5[%broadcast_in_dim3A_36, %get3A_111] : memref<4x10000xf32, #tpu.memory_space<vmem>>[vector<16xi32>, vector<16xi32>], vector<16xf32>,
      tpu.vector_store_idx %arg6[%broadcast_in_dim3A_36, %get3A_113], %gather3A_115 {add = true} : memref<4x10000xf32, #tpu.memory_space<vmem>>[vector<16xi32>, vector<16xi32>], vector<16xf32>,
      %gather3A_116 = tpu.vector_load_idx %arg5[%broadcast_in_dim3A_38, %get3A_111] : memref<4x10000xf32, #tpu.memory_space<vmem>>[vector<16xi32>, vector<16xi32>], vector<16xf32>,
      tpu.vector_store_idx %arg6[%broadcast_in_dim3A_38, %get3A_113], %gather3A_116 {add = true} : memref<4x10000xf32, #tpu.memory_space<vmem>>[vector<16xi32>, vector<16xi32>], vector<16xf32>,
      %gather3A_117 = tpu.vector_load_idx %arg5[%broadcast_in_dim3A_40, %get3A_111] : memref<4x10000xf32, #tpu.memory_space<vmem>>[vector<16xi32>, vector<16xi32>], vector<16xf32>,
      tpu.vector_store_idx %arg6[%broadcast_in_dim3A_40, %get3A_113], %gather3A_117 {add = true} : memref<4x10000xf32, #tpu.memory_space<vmem>>[vector<16xi32>, vector<16xi32>], vector<16xf32>,
    }
    %scan3A_46 = arith.constant 78 : i32
    %iota3A = tpu.iota {dimensions = array<i32: 0>} : vector<16xi32>
    %lt3A = arith.constant 8 : i32
    %lt3A_47 = vector.broadcast %lt3A : i32 to vector<16xi32>
    %lt3A_48 = arith.cmpi slt, %iota3A, %lt3A_47 : vector<16xi32>
    %get3A = arith.constant 4992 : index
    %get3A_49 = tpu.vector_load %arg7[%get3A] {strides = array<i32>} : memref<5008xi32, #tpu.memory_space<vmem>>, vector<16xi32>,
    %jit3A = arith.constant 0 : i32
    %broadcast_in_dim3A_50 = vector.broadcast %jit3A : i32 to vector<16xi32>
    %select_n3A = arith.select %lt3A_48, %get3A_49, %broadcast_in_dim3A_50 : vector<16xi1>, vector<16xi32>
    %get3A_51 = arith.constant 4992 : index
    %get3A_52 = tpu.vector_load %arg8[%get3A_51] {strides = array<i32>} : memref<5008xi32, #tpu.memory_space<vmem>>, vector<16xi32>,
    %jit3A_53 = arith.constant 0 : i32
    %broadcast_in_dim3A_54 = vector.broadcast %jit3A_53 : i32 to vector<16xi32>
    %select_n3A_55 = arith.select %lt3A_48, %get3A_52, %broadcast_in_dim3A_54 : vector<16xi1>, vector<16xi32>
    %gather3A = tpu.vector_load_idx %arg5[%broadcast_in_dim3A_34, %select_n3A] : memref<4x10000xf32, #tpu.memory_space<vmem>>[vector<16xi32>, vector<16xi32>], vector<16xf32>,
    tpu.vector_store_idx %arg6[%broadcast_in_dim3A_34, %select_n3A_55], %gather3A masked %lt3A_48 {add = true} : memref<4x10000xf32, #tpu.memory_space<vmem>>[vector<16xi32>, vector<16xi32>], vector<16xf32>, vector<16xi1>
    %gather3A_56 = tpu.vector_load_idx %arg5[%broadcast_in_dim3A_36, %select_n3A] : memref<4x10000xf32, #tpu.memory_space<vmem>>[vector<16xi32>, vector<16xi32>], vector<16xf32>,
    tpu.vector_store_idx %arg6[%broadcast_in_dim3A_36, %select_n3A_55], %gather3A_56 masked %lt3A_48 {add = true} : memref<4x10000xf32, #tpu.memory_space<vmem>>[vector<16xi32>, vector<16xi32>], vector<16xf32>, vector<16xi1>
    %gather3A_57 = tpu.vector_load_idx %arg5[%broadcast_in_dim3A_38, %select_n3A] : memref<4x10000xf32, #tpu.memory_space<vmem>>[vector<16xi32>, vector<16xi32>], vector<16xf32>,
    tpu.vector_store_idx %arg6[%broadcast_in_dim3A_38, %select_n3A_55], %gather3A_57 masked %lt3A_48 {add = true} : memref<4x10000xf32, #tpu.memory_space<vmem>>[vector<16xi32>, vector<16xi32>], vector<16xf32>, vector<16xi1>
    %gather3A_58 = tpu.vector_load_idx %arg5[%broadcast_in_dim3A_40, %select_n3A] : memref<4x10000xf32, #tpu.memory_space<vmem>>[vector<16xi32>, vector<16xi32>], vector<16xf32>,
    tpu.vector_store_idx %arg6[%broadcast_in_dim3A_40, %select_n3A_55], %gather3A_58 masked %lt3A_48 {add = true} : memref<4x10000xf32, #tpu.memory_space<vmem>>[vector<16xi32>, vector<16xi32>], vector<16xf32>, vector<16xi1>
    %mul3A_59 = arith.constant 4 : i32
    %mul3A_60 = arith.muli %add3A, %mul3A_59 : i32
    "tpu.region"() ({
      %run_scoped3A = tpu.sem_alloc : memref<!tpu.dma_semaphore, #tpu.memory_space<semaphore_mem>>
      %dma_start3A_61 = arith.constant 0 : i32
      %dma_start3A_62 = tpu.memref_slice %arg4[%mul3A_60, %dma_start3A_61] : memref<128x10000xf32, #tpu.memory_space<hbm>> -> memref<4x10000xf32, #tpu.memory_space<hbm>>
      %dma_start3A_63 = arith.constant 0 : i32
      %dma_start3A_64 = tpu.memref_slice %arg4[%mul3A_60, %dma_start3A_63] : memref<128x10000xf32, #tpu.memory_space<hbm>> -> memref<4x10000xf32, #tpu.memory_space<hbm>>
      tpu.enqueue_dma source(%arg6 : memref<4x10000xf32, #tpu.memory_space<vmem>>) target(%dma_start3A_64 : memref<4x10000xf32, #tpu.memory_space<hbm>>) target_semaphore(%run_scoped3A : memref<!tpu.dma_semaphore, #tpu.memory_space<semaphore_mem>>)
      %dma_wait3A_65 = arith.constant 0 : i32
      %dma_wait3A_66 = tpu.memref_slice %arg4[%mul3A_60, %dma_wait3A_65] : memref<128x10000xf32, #tpu.memory_space<hbm>> -> memref<4x10000xf32, #tpu.memory_space<hbm>>
      %dma_wait3A_67 = arith.constant 0 : i32
      %dma_wait3A_68 = tpu.memref_slice %arg4[%mul3A_60, %dma_wait3A_67] : memref<128x10000xf32, #tpu.memory_space<hbm>> -> memref<4x10000xf32, #tpu.memory_space<hbm>>
      tpu.wait_dma2 semaphore(%run_scoped3A : memref<!tpu.dma_semaphore, #tpu.memory_space<semaphore_mem>>) src(%arg6 : memref<4x10000xf32, #tpu.memory_space<vmem>>) dst(%dma_wait3A_68 : memref<4x10000xf32, #tpu.memory_space<hbm>>)
      tpu.yield
    }) : () -> ()
    return
  }
}

module attributes {stable_mosaic.version = 14 : i64} {
  func.func @_combine_proj_kernel(%arg0: memref<128x10000xf32, #tpu.memory_space<vmem>>, %arg1: memref<4x10000xf32, #tpu.memory_space<vmem>>, %arg2: memref<4x4xf32, #tpu.memory_space<vmem>>, %arg3: memref<4x4xf32, #tpu.memory_space<vmem>>, %arg4: memref<4xf32, #tpu.memory_space<vmem>>, %arg5: memref<4x10000xf32, #tpu.memory_space<vmem>>, %arg6: memref<4x10000xf32, #tpu.memory_space<vmem>>) attributes {dimension_semantics = [], scalar_prefetch = 0 : i64, scratch_operands = 0 : i64, tpu.core_type = #tpu.core_type<tc>} {
    %get3A = arith.constant 0 : index
    %get3A_0 = arith.constant 0 : index
    %get3A_1 = vector.load %arg0[%get3A, %get3A_0] : memref<128x10000xf32, #tpu.memory_space<vmem>>, vector<128x10000xf32>
    %reshape3A = vector.shape_cast %get3A_1 : vector<128x10000xf32> to vector<32x4x10000xf32>
    %reduce_sum3A = arith.constant dense<0.000000e+00> : vector<4x10000xf32>
    %reduce_sum3A_2 = vector.multi_reduction <add>, %reshape3A, %reduce_sum3A [0] : vector<32x4x10000xf32> to vector<4x10000xf32>
    %get3A_3 = arith.constant 0 : index
    %get3A_4 = arith.constant 0 : index
    %get3A_5 = vector.load %arg1[%get3A_3, %get3A_4] : memref<4x10000xf32, #tpu.memory_space<vmem>>, vector<4x10000xf32>
    %add3A = arith.addf %reduce_sum3A_2, %get3A_5 : vector<4x10000xf32>
    %tanh3A = math.tanh %add3A : vector<4x10000xf32>
    %get3A_6 = arith.constant 0 : index
    %get3A_7 = arith.constant 0 : index
    %get3A_8 = vector.load %arg2[%get3A_6, %get3A_7] : memref<4x4xf32, #tpu.memory_space<vmem>>, vector<4x4xf32>
    %dot_general3A = arith.constant dense<0.000000e+00> : vector<4x10000xf32>
    %dot_general3A_9 = tpu.matmul %get3A_8, %tanh3A, %dot_general3A {dimension_numbers = #tpu.dot_dimension_numbers<[0], [0], [1], [1], [0, 1, 1, 1], [], []>, transpose_lhs_hint = false} : vector<4x4xf32>, vector<4x10000xf32>, vector<4x10000xf32> -> vector<4x10000xf32>
    %swap3A = arith.constant 0 : index
    %swap3A_10 = arith.constant 0 : index
    %swap3A_11 = vector.load %arg5[%swap3A, %swap3A_10] : memref<4x10000xf32, #tpu.memory_space<vmem>>, vector<4x10000xf32>
    tpu.vector_store %arg5[%swap3A, %swap3A_10], %dot_general3A_9 {strides = array<i32>} : memref<4x10000xf32, #tpu.memory_space<vmem>>, vector<4x10000xf32>,
    %get3A_12 = arith.constant 0 : index
    %get3A_13 = arith.constant 0 : index
    %get3A_14 = vector.load %arg3[%get3A_12, %get3A_13] : memref<4x4xf32, #tpu.memory_space<vmem>>, vector<4x4xf32>
    %dot_general3A_15 = arith.constant dense<0.000000e+00> : vector<4x10000xf32>
    %dot_general3A_16 = tpu.matmul %get3A_14, %tanh3A, %dot_general3A_15 {dimension_numbers = #tpu.dot_dimension_numbers<[0], [0], [1], [1], [0, 1, 1, 1], [], []>, transpose_lhs_hint = false} : vector<4x4xf32>, vector<4x10000xf32>, vector<4x10000xf32> -> vector<4x10000xf32>
    %get3A_17 = arith.constant 0 : index
    %get3A_18 = vector.load %arg4[%get3A_17] : memref<4xf32, #tpu.memory_space<vmem>>, vector<4xf32>
    %broadcast_in_dim3A = vector.shape_cast %get3A_18 : vector<4xf32> to vector<4x1xf32>
    %broadcast_in_dim3A_19 = vector.broadcast %broadcast_in_dim3A : vector<4x1xf32> to vector<4x10000xf32>
    %add3A_20 = arith.addf %dot_general3A_16, %broadcast_in_dim3A_19 : vector<4x10000xf32>
    %swap3A_21 = arith.constant 0 : index
    %swap3A_22 = arith.constant 0 : index
    %swap3A_23 = vector.load %arg6[%swap3A_21, %swap3A_22] : memref<4x10000xf32, #tpu.memory_space<vmem>>, vector<4x10000xf32>
    tpu.vector_store %arg6[%swap3A_21, %swap3A_22], %add3A_20 {strides = array<i32>} : memref<4x10000xf32, #tpu.memory_space<vmem>>, vector<4x10000xf32>,
    return
  }
}

module attributes {stable_mosaic.version = 14 : i64} {
  func.func @_proj_kernel(%arg0: memref<10000x256xf32, #tpu.memory_space<vmem>>, %arg1: memref<256x4xf32, #tpu.memory_space<vmem>>, %arg2: memref<256x4xf32, #tpu.memory_space<vmem>>, %arg3: memref<4xf32, #tpu.memory_space<vmem>>, %arg4: memref<4x10000xf32, #tpu.memory_space<vmem>>, %arg5: memref<4x10000xf32, #tpu.memory_space<vmem>>) attributes {dimension_semantics = [], scalar_prefetch = 0 : i64, scratch_operands = 0 : i64, tpu.core_type = #tpu.core_type<tc>} {
    %get3A = arith.constant 0 : index
    %get3A_0 = arith.constant 0 : index
    %get3A_1 = vector.load %arg0[%get3A, %get3A_0] : memref<10000x256xf32, #tpu.memory_space<vmem>>, vector<10000x256xf32>
    %get3A_2 = arith.constant 0 : index
    %get3A_3 = arith.constant 0 : index
    %get3A_4 = vector.load %arg1[%get3A_2, %get3A_3] : memref<256x4xf32, #tpu.memory_space<vmem>>, vector<256x4xf32>
    %dot_general3A = arith.constant dense<0.000000e+00> : vector<4x10000xf32>
    %dot_general3A_5 = tpu.matmul %get3A_4, %get3A_1, %dot_general3A {dimension_numbers = #tpu.dot_dimension_numbers<[0], [1], [1], [0], [0, 1, 1, 0], [], []>, transpose_lhs_hint = false} : vector<256x4xf32>, vector<10000x256xf32>, vector<4x10000xf32> -> vector<4x10000xf32>
    %swap3A = arith.constant 0 : index
    %swap3A_6 = arith.constant 0 : index
    %swap3A_7 = vector.load %arg4[%swap3A, %swap3A_6] : memref<4x10000xf32, #tpu.memory_space<vmem>>, vector<4x10000xf32>
    tpu.vector_store %arg4[%swap3A, %swap3A_6], %dot_general3A_5 {strides = array<i32>} : memref<4x10000xf32, #tpu.memory_space<vmem>>, vector<4x10000xf32>,
    %get3A_8 = arith.constant 0 : index
    %get3A_9 = arith.constant 0 : index
    %get3A_10 = vector.load %arg2[%get3A_8, %get3A_9] : memref<256x4xf32, #tpu.memory_space<vmem>>, vector<256x4xf32>
    %dot_general3A_11 = arith.constant dense<0.000000e+00> : vector<4x10000xf32>
    %dot_general3A_12 = tpu.matmul %get3A_10, %get3A_1, %dot_general3A_11 {dimension_numbers = #tpu.dot_dimension_numbers<[0], [1], [1], [0], [0, 1, 1, 0], [], []>, transpose_lhs_hint = false} : vector<256x4xf32>, vector<10000x256xf32>, vector<4x10000xf32> -> vector<4x10000xf32>
    %get3A_13 = arith.constant 0 : index
    %get3A_14 = vector.load %arg3[%get3A_13] : memref<4xf32, #tpu.memory_space<vmem>>, vector<4xf32>
    %broadcast_in_dim3A = vector.shape_cast %get3A_14 : vector<4xf32> to vector<4x1xf32>
    %broadcast_in_dim3A_15 = vector.broadcast %broadcast_in_dim3A : vector<4x1xf32> to vector<4x10000xf32>
    %add3A = arith.addf %dot_general3A_12, %broadcast_in_dim3A_15 : vector<4x10000xf32>
    %swap3A_16 = arith.constant 0 : index
    %swap3A_17 = arith.constant 0 : index
    %swap3A_18 = vector.load %arg5[%swap3A_16, %swap3A_17] : memref<4x10000xf32, #tpu.memory_space<vmem>>, vector<4x10000xf32>
    tpu.vector_store %arg5[%swap3A_16, %swap3A_17], %add3A {strides = array<i32>} : memref<4x10000xf32, #tpu.memory_space<vmem>>, vector<4x10000xf32>,
    return
  }
}

module attributes {stable_mosaic.version = 14 : i64} {
  func.func @_combine_proj_kernel(%arg0: memref<128x10000xf32, #tpu.memory_space<vmem>>, %arg1: memref<4x10000xf32, #tpu.memory_space<vmem>>, %arg2: memref<4x2xf32, #tpu.memory_space<vmem>>, %arg3: memref<4x2xf32, #tpu.memory_space<vmem>>, %arg4: memref<2xf32, #tpu.memory_space<vmem>>, %arg5: memref<2x10000xf32, #tpu.memory_space<vmem>>, %arg6: memref<2x10000xf32, #tpu.memory_space<vmem>>) attributes {dimension_semantics = [], scalar_prefetch = 0 : i64, scratch_operands = 0 : i64, tpu.core_type = #tpu.core_type<tc>} {
    %get3A = arith.constant 0 : index
    %get3A_0 = arith.constant 0 : index
    %get3A_1 = vector.load %arg0[%get3A, %get3A_0] : memref<128x10000xf32, #tpu.memory_space<vmem>>, vector<128x10000xf32>
    %reshape3A = vector.shape_cast %get3A_1 : vector<128x10000xf32> to vector<32x4x10000xf32>
    %reduce_sum3A = arith.constant dense<0.000000e+00> : vector<4x10000xf32>
    %reduce_sum3A_2 = vector.multi_reduction <add>, %reshape3A, %reduce_sum3A [0] : vector<32x4x10000xf32> to vector<4x10000xf32>
    %get3A_3 = arith.constant 0 : index
    %get3A_4 = arith.constant 0 : index
    %get3A_5 = vector.load %arg1[%get3A_3, %get3A_4] : memref<4x10000xf32, #tpu.memory_space<vmem>>, vector<4x10000xf32>
    %add3A = arith.addf %reduce_sum3A_2, %get3A_5 : vector<4x10000xf32>
    %tanh3A = math.tanh %add3A : vector<4x10000xf32>
    %get3A_6 = arith.constant 0 : index
    %get3A_7 = arith.constant 0 : index
    %get3A_8 = vector.load %arg2[%get3A_6, %get3A_7] : memref<4x2xf32, #tpu.memory_space<vmem>>, vector<4x2xf32>
    %dot_general3A = arith.constant dense<0.000000e+00> : vector<2x10000xf32>
    %dot_general3A_9 = tpu.matmul %get3A_8, %tanh3A, %dot_general3A {dimension_numbers = #tpu.dot_dimension_numbers<[0], [0], [1], [1], [0, 1, 1, 1], [], []>, transpose_lhs_hint = false} : vector<4x2xf32>, vector<4x10000xf32>, vector<2x10000xf32> -> vector<2x10000xf32>
    %swap3A = arith.constant 0 : index
    %swap3A_10 = arith.constant 0 : index
    %swap3A_11 = vector.load %arg5[%swap3A, %swap3A_10] : memref<2x10000xf32, #tpu.memory_space<vmem>>, vector<2x10000xf32>
    tpu.vector_store %arg5[%swap3A, %swap3A_10], %dot_general3A_9 {strides = array<i32>} : memref<2x10000xf32, #tpu.memory_space<vmem>>, vector<2x10000xf32>,
    %get3A_12 = arith.constant 0 : index
    %get3A_13 = arith.constant 0 : index
    %get3A_14 = vector.load %arg3[%get3A_12, %get3A_13] : memref<4x2xf32, #tpu.memory_space<vmem>>, vector<4x2xf32>
    %dot_general3A_15 = arith.constant dense<0.000000e+00> : vector<2x10000xf32>
    %dot_general3A_16 = tpu.matmul %get3A_14, %tanh3A, %dot_general3A_15 {dimension_numbers = #tpu.dot_dimension_numbers<[0], [0], [1], [1], [0, 1, 1, 1], [], []>, transpose_lhs_hint = false} : vector<4x2xf32>, vector<4x10000xf32>, vector<2x10000xf32> -> vector<2x10000xf32>
    %get3A_17 = arith.constant 0 : index
    %get3A_18 = vector.load %arg4[%get3A_17] : memref<2xf32, #tpu.memory_space<vmem>>, vector<2xf32>
    %broadcast_in_dim3A = vector.shape_cast %get3A_18 : vector<2xf32> to vector<2x1xf32>
    %broadcast_in_dim3A_19 = vector.broadcast %broadcast_in_dim3A : vector<2x1xf32> to vector<2x10000xf32>
    %add3A_20 = arith.addf %dot_general3A_16, %broadcast_in_dim3A_19 : vector<2x10000xf32>
    %swap3A_21 = arith.constant 0 : index
    %swap3A_22 = arith.constant 0 : index
    %swap3A_23 = vector.load %arg6[%swap3A_21, %swap3A_22] : memref<2x10000xf32, #tpu.memory_space<vmem>>, vector<2x10000xf32>
    tpu.vector_store %arg6[%swap3A_21, %swap3A_22], %add3A_20 {strides = array<i32>} : memref<2x10000xf32, #tpu.memory_space<vmem>>, vector<2x10000xf32>,
    return
  }
}

module attributes {stable_mosaic.version = 14 : i64} {
  func.func @_finish_kernel(%arg0: memref<64x10000xf32, #tpu.memory_space<vmem>>, %arg1: memref<2x10000xf32, #tpu.memory_space<vmem>>, %arg2: memref<2x10000xf32, #tpu.memory_space<vmem>>) attributes {dimension_semantics = [], scalar_prefetch = 0 : i64, scratch_operands = 0 : i64, tpu.core_type = #tpu.core_type<tc>} {
    %get3A = arith.constant 0 : index
    %get3A_0 = arith.constant 0 : index
    %get3A_1 = vector.load %arg0[%get3A, %get3A_0] : memref<64x10000xf32, #tpu.memory_space<vmem>>, vector<64x10000xf32>
    %reshape3A = vector.shape_cast %get3A_1 : vector<64x10000xf32> to vector<32x2x10000xf32>
    %reduce_sum3A = arith.constant dense<0.000000e+00> : vector<2x10000xf32>
    %reduce_sum3A_2 = vector.multi_reduction <add>, %reshape3A, %reduce_sum3A [0] : vector<32x2x10000xf32> to vector<2x10000xf32>
    %get3A_3 = arith.constant 0 : index
    %get3A_4 = arith.constant 0 : index
    %get3A_5 = vector.load %arg1[%get3A_3, %get3A_4] : memref<2x10000xf32, #tpu.memory_space<vmem>>, vector<2x10000xf32>
    %add3A = arith.addf %reduce_sum3A_2, %get3A_5 : vector<2x10000xf32>
    %tanh3A = math.tanh %add3A : vector<2x10000xf32>
    %swap3A = arith.constant 0 : index
    %swap3A_6 = arith.constant 0 : index
    %swap3A_7 = vector.load %arg2[%swap3A, %swap3A_6] : memref<2x10000xf32, #tpu.memory_space<vmem>>, vector<2x10000xf32>
    tpu.vector_store %arg2[%swap3A, %swap3A_6], %tanh3A {strides = array<i32>} : memref<2x10000xf32, #tpu.memory_space<vmem>>, vector<2x10000xf32>,
    return
  }
}

</mosaic_0001>

<sc_bundles>
// kernel: kernel.12.cloned.1.call-start
scs
__scs_entry_jumppad:
0x0: {  	(pc) =	sbr.rel $0x88, $3  }
0x1: {  	(tag) =	ssettag $0x0;
	lr =	simm.s32 $0x1  }
0x2: {  	[smem:$0x3F96] =	sst lr;
	_ =	strace $0xD0000000  }
0x3: {  	_ = 	snop  }
0x4: {  	_ = 	snop  }
0x5: {  	_ = 	snop  }
0x6: {  	_ = 	snop  }
0x7: {  	_ = 	snop  }
__scs_overlays_trampoline_lowered:
0x8: {  	[smem:$0x3FA5] =	sst s0  }
0x9: {  	[smem:$0x3FA6] =	sst s1  }
0xa: {  	[smem:$0x3FA7] =	sst s2  }
0xb: {  	[smem:$0x3FA8] =	sst s3  }
0xc: {  	[smem:$0x3FA9] =	sst s4  }
0xd: {  	[smem:$0x3FAA] =	sst s5  }
0xe: {  	[smem:$0x3FAB] =	sst s6  }
0xf: {  	[smem:$0x3FAC] =	sst s7  }
0x10: {  	[smem:$0x3FAD] =	sst s8  }
0x11: {  	[smem:$0x3FAE] =	sst s9;
	s0 =	simm.s32 @!p0 $0x0  }
0x12: {  	s1 =	sld [smem:$0x3F94];
	s0 =	simm.s32 @p0 $0x1  }
0x13: {  	[smem:$0x3FAF] =	sst s0;
	s0 =	simm.s32 @!p1 $0x0  }
0x14: {  	s2 =	sld [smem:$0x3F93];
	s0 =	simm.s32 @p1 $0x1  }
0x15: {  	[smem:$0x3FB0] =	sst s0;
	s0 =	simm.s32 @!p2 $0x0  }
0x16: {  	s3 =	sld [smem:$0x3FDB];
	s0 =	simm.s32 @p2 $0x1  }
0x17: {  	s4 =	simm.s32 $0x1BF5;
	[smem:$0x3FB2] =	sst s0  }
0x18: {  	s0 =	sld [smem:$0x3F95];
	_ =	swait.ge [sflag:s4], $0x0  }
0x19: {  	s7 =	sld [smem:$0x3F96]  }
0x1a: {  	s8 =	sadd.s32 $0xFFFFE003, lr  }
0x1b: {  	s9 =	sadd.s32 $0xFFFFFEF7, lr;
	s5 =	simm.s32 $0xFFFFFFFF;
	p2 =	slt.u32 s8, $0xFFFFF086  }
0x1c: {  	p1 =	slt.u32 s9, $0xF7A;
	s5 =	simm.s32 @!p2 $0x0  }
0x1d: {  	s5 =	simm.s32 @p1 $0x1;
	p0 =	seq.s32 s7, s2  }
0x1e: {  	s7 =	smul.u32 @!p0 $0xF7A, s2;
	p2 =	seq.s32 @!p0 s5, $0x0  }
0x1f: {  	s9 =	smul.u32 $0xF7A, s1;
	s8 =	simm.s32 @!p0 $0x1BF5;
	p2 =	por !p2, p0  }
0x20: {  	[sflag:s8] =	ssyncset.s32 @!p0 $0xFFFFF086;
	s6 =	sadd.s32 @!p0 s3, s7;
	s7 =	simm.s32 @!p0 $0x108  }
0x21: {  	s3 =	sadd.s32 s3, s9;
	s6 =	sadd.s32 @!p0 $0x88, s6;
	s7 =	simm.s32 @p2 $0x1082  }
0x22: {  	[simem:s7], [sflag:s8] =	dma.local @!p0 [hbm:s6], $0xF7A  }
0x23: {  	s9 =	sor.u32 $0xD0000000, s2;
	s6 =	simm.s32 $0x108;
	_ =	swait.ge @!p0 [sflag:s8], $0x0  }
0x24: {  	s3 =	sadd.s32 $0x88, s3;
	s6 =	simm.s32 @!p1 $0x1082;
	[sflag:s4] =	ssyncset.s32 $0xFFFFF086  }
0x25: {  	[simem:s6], [sflag:s4] =	dma.local [hbm:s3], $0xF7A  }
0x26: {  	[smem:$0x3F96] =	sst s1;
	(tag) =	ssettag s2;
	_ =	strace s9  }
0x27: {  	s1 =	sld [smem:$0x3FA6]  }
0x28: {  	s2 =	sld [smem:$0x3FA7]  }
0x29: {  	s4 =	sld [smem:$0x3FA9]  }
0x2a: {  	p0 =	seq.s32 s5, $0x0;
	s5 =	sld [smem:$0x3FAA]  }
0x2b: {  	s6 =	sld [smem:$0x3FAB]  }
0x2c: {  	s7 =	sld [smem:$0x3FAC]  }
0x2d: {  	s3 =	simm.s32 $0x108;
	s8 =	sld [smem:$0x3FAD]  }
0x2e: {  	s3 =	simm.s32 @!p0 $0x1082;
	s9 =	sld [smem:$0x3FAE]  }
0x2f: {  	lr =	sadd.s32 s0, s3;
	s0 =	sld [smem:$0x3FA5]  }
0x30: {  	s3 =	sld [smem:$0x3FA8]  }
0x31: {  	[smem:$0x3FB1] =	sst s10  }
0x32: {  	s10 =	sld [smem:$0x3FAF];
	_ =	sdelay $0x3  }
0x33: {  	p0 =	seq.s32 s10, $0x1;
	s10 =	sld [smem:$0x3FB1];
	_ =	sdelay $0x3  }
0x34: {  	[smem:$0x3FB1] =	sst s10  }
0x35: {  	s10 =	sld [smem:$0x3FB0];
	_ =	sdelay $0x3  }
0x36: {  	p1 =	seq.s32 s10, $0x1;
	s10 =	sld [smem:$0x3FB1];
	_ =	sdelay $0x3  }
0x37: {  	[smem:$0x3FB1] =	sst s10  }
0x38: {  	s10 =	sld [smem:$0x3FB2]  }
0x39: {  	_ = 	snop;
	(pc) =	sbr.ind lr, $3  }
0x3a: {  	_ = 	snop  }
0x3b: {  	_ = 	snop  }
0x3c: {  	p2 =	seq.s32 s10, $0x1;
	s10 =	sld [smem:$0x3FB1]  }
0x3d: {  	_ =	shalt  }
0x3e: {  	_ =	shalt  }
0x3f: {  	_ =	shalt  }
0x40: {  	_ =	shalt  }
0x41: {  	_ =	shalt  }
0x42: {  	_ =	shalt  }
0x43: {  	_ =	shalt  }
0x44: {  	_ =	shalt  }
0x45: {  	_ =	shalt  }
0x46: {  	_ =	shalt  }
0x47: {  	_ =	shalt  }
0x48: {  	_ =	shalt  }
0x49: {  	_ =	shalt  }
0x4a: {  	_ =	shalt  }
0x4b: {  	_ =	shalt  }
0x4c: {  	_ =	shalt  }
0x4d: {  	_ =	shalt  }
0x4e: {  	_ =	shalt  }
0x4f: {  	_ =	shalt  }
0x50: {  	_ =	shalt  }
0x51: {  	_ =	shalt  }
0x52: {  	_ =	shalt  }
0x53: {  	_ =	shalt  }
0x54: {  	_ =	shalt  }
0x55: {  	_ =	shalt  }
0x56: {  	_ =	shalt  }
0x57: {  	_ =	shalt  }
0x58: {  	_ =	shalt  }
0x59: {  	_ =	shalt  }
0x5a: {  	_ =	shalt  }
0x5b: {  	_ =	shalt  }
0x5c: {  	_ =	shalt  }
0x5d: {  	_ =	shalt  }
0x5e: {  	_ =	shalt  }
0x5f: {  	_ =	shalt  }
0x60: {  	_ =	shalt  }
0x61: {  	_ =	shalt  }
0x62: {  	_ =	shalt  }
0x63: {  	_ =	shalt  }
0x64: {  	_ =	shalt  }
0x65: {  	_ =	shalt  }
0x66: {  	_ =	shalt  }
0x67: {  	_ =	shalt  }
0x68: {  	_ =	shalt  }
0x69: {  	_ =	shalt  }
0x6a: {  	_ =	shalt  }
0x6b: {  	_ =	shalt  }
0x6c: {  	_ =	shalt  }
0x6d: {  	_ =	shalt  }
0x6e: {  	_ =	shalt  }
0x6f: {  	_ =	shalt  }
0x70: {  	_ =	shalt  }
0x71: {  	_ =	shalt  }
0x72: {  	_ =	shalt  }
0x73: {  	_ =	shalt  }
0x74: {  	_ =	shalt  }
0x75: {  	_ =	shalt  }
0x76: {  	_ =	shalt  }
0x77: {  	_ =	shalt  }
0x78: {  	_ =	shalt  }
0x79: {  	_ =	shalt  }
0x7a: {  	_ =	shalt  }
0x7b: {  	_ =	shalt  }
0x7c: {  	_ =	shalt  }
0x7d: {  	_ =	shalt  }
0x7e: {  	_ =	shalt  }
0x7f: {  	_ =	shalt  }
0x80: {  	_ =	shalt  }
0x81: {  	_ =	shalt  }
0x82: {  	_ =	shalt  }
0x83: {  	_ =	shalt  }
0x84: {  	_ =	shalt  }
0x85: {  	_ =	shalt  }
0x86: {  	_ =	shalt  }
0x87: {  	_ =	shalt  }
.Lfunc_end0:
.L_simem_size_0:
called_computation.1_lowered:
.L_overlay_start_0:
0x88: {  	s2 =	sld [smem:$0x3FD9]  }
0x89: {  	s3 =	sld [smem:$0x3FFE];
	_ =	sdelay $0x1  }
0x8a: {  	s1 =	srdreg.scid  }
0x8b: {  	s0 =	sand.u32 $0x1, s1  }
0x8c: {  	s16 =	sshll.u32 s0, $0xA;
	s2 =	sadd.s32 s3, s2  }
0x8d: {  	s2 =	sadd.s32 s2, s16  }
0x8e: {  	[smem:$0x3FBD] =	sst s2  }
0x8f: {  	_ = 	snop  }
0x90: {  	(tm) =	ssettm $0x1  }
0x91: {  	s17 =	sld [smem:$0x3FFB];
	_ =	sdelay $0x3  }
0x92: {  	_ =	strace s17  }
0x93: {  	s2 =	sld [smem:$0x3FFC];
	_ =	sdelay $0x3  }
0x94: {  	_ =	strace s2  }
0x95: {  	s2 =	sld [smem:$0x3FFD];
	_ =	sdelay $0x3  }
0x96: {  	_ =	strace s2  }
0x97: {  	_ =	strace $0x8FFFFFFF  }
0x98: {  	s18 =	sld [smem:$0x3FDB];
	_ =	sdelay $0x1  }
0x99: {  	s19 =	simm.s32 $_scs_section_size  }
0x9a: {  	s4 =	simm.s32 $_size__tile_overlayer_lowered;
	s5 =	simm.s32 $_tile_overlayer_lowered  }
0x9b: {  	s22 =	simm.s32 $0x1BFF;
	s21 =	sshll.u32 s5, $0x1;
	s2 =	sadd.s32 s19, s18  }
0x9c: {  	s6 =	simm.s32 $0x0;
	s20 =	sshll.u32 s4, $0x1;
	s4 =	sadd.s32 s21, s2  }
0x9d: {  	[timem:s6], [sflag:s22] =	dma.local [hbm:s4], s20  }
0x9e: {  	_ =	swait.ge [sflag:s22], s20  }
0x9f: {  	s3 =	ssub.s32 $0x0, s20;
	[sflag:s22] =	ssyncset.done $0x0  }
0xa0: {  	[sflag:s22] =	ssyncadd.s32 s3;
	_ =	sdelay $0x1  }
0xa1: {  	s23 =	simm.s32 $0x1B8B  }
0xa2: {  	_ =	swait.ge [sflag:s23], $0x1  }
0xa3: {  	[sflag:s23] =	ssyncset.done $0x0  }
0xa4: {  	s25 =	simm.s32 $0x1B8E;
	s24 =	sld [smem:$0x3FFE];
	[sflag:s23] =	ssyncadd.s32 $0xFFFFFFFF  }
0xa5: {  	s26 =	simm.s32 $execute0_lowered;
	[smem:$0x3FD2] =	sst s25  }
0xa6: {  	s4 =	sshll.u32 s26, $0x1;
	_ =	strace $0x80000049;
	[dreg:$0x1] =	wrdreg $0xFFFFFFFF  }
0xa7: {  	s28 =	simm.s32 $_size_execute0_lowered;
	s2 =	sadd.s32 s2, s4;
	[dreg:$0x0] =	wrdreg $0x0  }
0xa8: {  	s4 =	sshll.u32 s28, $0x1;
	[dreg:$0x2] =	wrdreg s2  }
0xa9: {  	[dreg:$0x3] =	wrdreg s4  }
0xaa: {  	[dreg:$0x4] =	wrdreg $0xC0  }
0xab: {  	_ =	task [dreg:s6], $0x5FFFF  }
0xac: {  	[dreg:$0x1] =	wrdreg $0xFFFFFFFF  }
0xad: {  	[dreg:$0x0] =	wrdreg $0x60  }
0xae: {  	[dreg:$0x2] =	wrdreg s24  }
0xaf: {  	[dreg:$0x3] =	wrdreg $0x9  }
0xb0: {  	_ =	task.clear_ibuf [dreg:s6], $0x4FFFF;
	_ =	strace $0x90000049  }
0xb1: {  	s29 =	simm.s32 $0x9;
	_ =	strace $0x8000004B  }
0xb2: {  	_ =	swait.ge [sflag:s29], $0x1  }
0xb3: {  	[sflag:s29] =	ssyncadd.s32 $0xFFFFFFFF  }
0xb4: {  	_ =	strace $0x9000004B  }
0xb5: {  	_ =	sfence  }
0xb6: {  	s30 =	sld [smem:$0x0];
	_ =	sdelay $0x2  }
0xb7: {  	s31 =	sshll.u32 s1, $0xD;
	s1 =	sshrl.u32 s1, $0x2  }
0xb8: {  	s3 =	sand.u32 $0x4000, s31;
	s1 =	sadd.s32 s1, s30  }
0xb9: {  	s0 =	sor.u32 s3, s0;
	s1 =	sshll.u32 s1, $0x11  }
0xba: {  	s0 =	sor.u32 s1, s0  }
0xbb: {  	s0 =	sadd.s32 $0x8F2B, s0  }
0xbc: {  	[sflag:s0] =	ssyncadd.remote.s32 $0x1  }
0xbd: {  	_ =	sfence.sel $0xFFFF  }
0xbe: {  	[dreg:$0x0] =	wrdreg $0xFFFFFFFF;
	(pc) =	sbr.abs _section_cstart, $3  }
0xbf: {  	[dreg:$0x1] =	wrdreg $0xFFFFFFFF  }
0xc0: {  	_ =	task.clear_ibuf [dreg:s6], $0x2FFFF;
	_ =	strace $0x9FFFFFFF  }
0xc1: {  	(tm) =	ssettm $0x7FFFFFFF  }
tec
execute0_lowered:
.L_overlay_start_1:
0x0: {  	(tag) =	ssettag $0x1  }
0x1: {  	s4 =	rddreg [dreg:$0x0]  }
0x2: {  	s2 =	srdreg.scid;
	s1 =	stileid.u32  }
0x3: {  	s0 =	rddreg [dreg:$0x1];
	s9 =	simm.s32 $0x15000;
	s10 =	simm.s32 $0x1  }
0x4: {  	s11 =	simm.s32 $0x2;
	s12 =	simm.s32 $0x3;
	s13 =	simm.s32 $0x9E00  }
0x5: {  	s14 =	simm.s32 $0x200;
	s15 =	simm.s32 $0x400;
	s16 =	simm.s32 $0x4  }
0x6: {  	s17 =	simm.s32 $0x0;
	s5 =	sand.u32 $0x1, s2;
	s3 =	sshll.u32 s1, $0x1  }
0x7: {  	s2 =	simm.s32 $0x0;
	s6 =	smul.u32 $0x13C00, s1;
	s3 =	sor.u32 s5, s3  }
0x8: {  	[smem:$0x7FF] =	sst s2;
	s8 =	sshll.u32 s5, $0x9;
	s5 =	ssub.s32 $0x2, s5  }
0x9: {  	s7 =	smul.u32 $0x1388, s3;
	_ =	strace $0x8000004A;
	s6 =	sor.u32 s8, s6  }
0xa: {  	s3 =	sadd.s32 $0xCC00, s4;
	s30 =	sshrl.u32 s5, $0x1;
	s6 =	sshrl.u32 s6, $0x3  }
0xb: {  	s8 =	simm.s32 $0x13C00;
	s7 =	sshrl.u32 s7, $0x3;
	s6 =	sadd.s32 s6, s4  }
0xc: {  	s31 =	ssub.s32 s5, s30;
	s7 =	sadd.s32 s7, s4;
	s6 =	sadd.s32 $0xE000, s6  }
0xd: {  	v0 =	vimm.f32 $0.0e+00;
	vm0 =	vmmov $0xff;
	s4 =	sadd.s32 $0x2E00, s7;
	s5 =	sadd.s32 $0x7C20, s7;
	s7 =	smax.u32 s31, $0x1  }
.LBB2_1:
0xe: {  	[tilespmem:s2], [sflag:$0x1] =	stream.linear.gather [hbm4b:s3+s2], $0x9E00, $0x38;
	[tilespmem:$0x16400] =	vst v63  }
0xf: {  	s18 =	simm.s32 $0x0  }
0x10: {  	s19 =	sand.u32 $0xFE00, s2;
	s18 =	sand.u32 $0x70, s18  }
0x11: {  	[tilespmem:s8], [sflag:$0x2] =	stream.linear.gather [hbm4b:s4+s2], $0x1388, $0x38;
	[tilespmem:$0x16400] =	vst v63  }
0x12: {  	s18 =	sor.u32 s18, s19  }
0x13: {  	[tilespmem:s9], [sflag:$0x3] =	stream.linear.gather [hbm4b:s5+s2], $0x1388, $0x38;
	[tilespmem:$0x16400] =	vst v63  }
0x14: {  	[tilespmem:s18+$0x9F00] =	vst v0  }
0x15: {  	s21 =	simm.s32 $0x10;
	s20 =	simm.s32 $0x40;
	[tilespmem:s18+$0x9E80] =	vst v0  }
0x16: {  	s20 =	sand.u32 $0x1FE00, s20;
	s19 =	sand.u32 $0x70, s21;
	[tilespmem:s18+$0x9E00] =	vst v0  }
0x17: {  	s22 =	sor.u32 s19, s20;
	[tilespmem:s18+$0x9F80] =	vst v0  }
0x18: {  	[tilespmem:s22+$0x9F80] =	vst v0  }
0x19: {  	s23 =	simm.s32 $0x20;
	s24 =	simm.s32 $0x80;
	[tilespmem:s22+$0x9E80] =	vst v0  }
0x1a: {  	s19 =	sand.u32 $0x70, s23;
	s20 =	sand.u32 $0x1FE00, s24;
	[tilespmem:s22+$0x9E00] =	vst v0  }
0x1b: {  	s25 =	sor.u32 s19, s20;
	[tilespmem:s22+$0x9F00] =	vst v0  }
0x1c: {  	[tilespmem:s25+$0x9E80] =	vst v0  }
0x1d: {  	s26 =	simm.s32 $0x30;
	s28 =	simm.s32 $0xC0;
	[tilespmem:s25+$0x9F80] =	vst v0  }
0x1e: {  	s19 =	sand.u32 $0x70, s26;
	s20 =	sand.u32 $0x1FE00, s28;
	[tilespmem:s25+$0x9F00] =	vst v0  }
0x1f: {  	s29 =	sor.u32 s19, s20;
	[tilespmem:s25+$0x9E00] =	vst v0  }
0x20: {  	[tilespmem:s29+$0x9F80] =	vst v0  }
0x21: {  	s30 =	simm.s32 $0x40;
	s31 =	simm.s32 $0x100;
	[tilespmem:s29+$0x9E80] =	vst v0  }
0x22: {  	s19 =	sand.u32 $0x70, s30;
	s20 =	sand.u32 $0x1FE00, s31;
	[tilespmem:s29+$0x9E00] =	vst v0  }
0x23: {  	s20 =	sor.u32 s19, s20;
	[tilespmem:s29+$0x9F00] =	vst v0  }
0x24: {  	s18 =	simm.s32 $0x140;
	s19 =	simm.s32 $0x90;
	[tilespmem:s20+$0x9F80] =	vst v0  }
.LBB2_2:
0x25: {  	s21 =	sadd.s32 $0xFFFFFFC0, s19  }
0x26: {  	p0 =	sne.s32 s18, $0x9B00;
	[tilespmem:s20+$0x9E80] =	vst v0;
	s22 =	smov.u32 s18;
	s18 =	sadd.s32 $0x140, s18  }
0x27: {  	s21 =	sand.u32 $0x70, s21;
	s23 =	sand.u32 $0xFE00, s22;
	[tilespmem:s20+$0x9E00] =	vst v0  }
0x28: {  	s21 =	sor.u32 s21, s23;
	[tilespmem:s20+$0x9F00] =	vst v0  }
0x29: {  	[tilespmem:s21+$0x9F00] =	vst v0  }
0x2a: {  	s20 =	sadd.s32 $0xFFFFFFD0, s19;
	s23 =	sadd.s32 $0x40, s22;
	[tilespmem:s21+$0x9E80] =	vst v0  }
0x2b: {  	s20 =	sand.u32 $0x70, s20;
	s23 =	sand.u32 $0x1FE00, s23;
	[tilespmem:s21+$0x9E00] =	vst v0  }
0x2c: {  	s20 =	sor.u32 s20, s23;
	[tilespmem:s21+$0x9F80] =	vst v0  }
0x2d: {  	[tilespmem:s20+$0x9F80] =	vst v0  }
0x2e: {  	s23 =	sadd.s32 $0x80, s22;
	s21 =	sadd.s32 $0xFFFFFFE0, s19;
	[tilespmem:s20+$0x9E80] =	vst v0  }
0x2f: {  	s23 =	sand.u32 $0x1FE00, s23;
	s21 =	sand.u32 $0x70, s21;
	[tilespmem:s20+$0x9E00] =	vst v0  }
0x30: {  	[tilespmem:s20+$0x9F00] =	vst v0;
	s20 =	sor.u32 s21, s23  }
0x31: {  	[tilespmem:s20+$0x9E80] =	vst v0  }
0x32: {  	s21 =	sadd.s32 $0xFFFFFFF0, s19;
	s23 =	sadd.s32 $0xC0, s22;
	[tilespmem:s20+$0x9F80] =	vst v0  }
0x33: {  	s21 =	sand.u32 $0x70, s21;
	s23 =	sand.u32 $0x1FE00, s23;
	[tilespmem:s20+$0x9F00] =	vst v0  }
0x34: {  	[tilespmem:s20+$0x9E00] =	vst v0;
	s20 =	sor.u32 s21, s23  }
.Ltmp0:
0x35: {  	[tilespmem:s20+$0x9F80] =	vst v0;
	(pc) =	sbr.rel @p0 .LBB2_2-.Ltmp0, $4  }
0x36: {  	s21 =	sadd.s32 $0x100, s22;
	[tilespmem:s20+$0x9E80] =	vst v0  }
0x37: {  	s22 =	sand.u32 $0x70, s19;
	s21 =	sand.u32 $0x1FE00, s21;
	[tilespmem:s20+$0x9E00] =	vst v0  }
0x38: {  	[tilespmem:s20+$0x9F00] =	vst v0;
	s20 =	sor.u32 s22, s21  }
0x39: {  	s19 =	sadd.s32 $0x50, s19;
	[tilespmem:s20+$0x9F80] =	vst v0  }
0x3a: {  	[tilespmem:s20+$0x9E80] =	vst v0  }
0x3b: {  	[tilespmem:s20+$0x9E00] =	vst v0  }
0x3c: {  	[tilespmem:s20+$0x9F00] =	vst v0  }
0x3d: {  	_ =	swait.ge [sflag:s10], $0x9E00  }
0x3e: {  	[sflag:s10] =	ssyncset.done $0x0  }
0x3f: {  	[sflag:s10] =	ssyncadd.s32 $0xFFFF6200  }
0x40: {  	_ =	swait.ge [sflag:s11], $0x1388  }
0x41: {  	[sflag:s11] =	ssyncset.done $0x0  }
0x42: {  	[sflag:s11] =	ssyncadd.s32 $0xFFFFEC78  }
0x43: {  	_ =	swait.ge [sflag:s12], $0x1388  }
0x44: {  	[sflag:s12] =	ssyncset.done $0x0  }
0x45: {  	s18 =	simm.s32 $0x0;
	[sflag:s12] =	ssyncadd.s32 $0xFFFFEC78  }
.LBB2_4:
0x46: {  	s19 =	sshra.s32 s18, $0x2  }
0x47: {  	v1 =	vld [tilespmem:s19+$0x13C00];
	_ =	sdelay $0x4  }
0x48: {  	v2 =	vld [tilespmem:s19+$0x15000];
	v3 =	vshll.u32 v1, $0x2  }
0x49: {  	v1 =	vand.u32 $0x7F, v1;
	v3 =	vand.u32 $0xFFFFFE00, v3  }
0x4a: {  	v1 =	vor.u32 v1, v3;
	_ =	sdelay $0x2  }
0x4b: {  	v3 =	vshll.u32 v2, $0x2  }
0x4c: {  	v2 =	vand.u32 $0x7F, v2;
	v3 =	vand.u32 $0xFFFFFE00, v3  }
0x4d: {  	v2 =	vor.u32 v2, v3;
	v4 =	vld.idx.msk [tilespmem:v1+s2+$0x0], $0xffff  }
0x4e: {  	v3 =	vor.u32 $0x80, v1;
	_ =	sdelay $0x3  }
0x4f: {  	[tilespmem:v2+s13+$0x0] =	vst.idx.add.f32.msk $0xffff, v4  }
0x50: {  	v53 =	vor.u32 $0x80, v2;
	v3 =	vld.idx.msk [tilespmem:v3+s2+$0x0], $0xffff  }
0x51: {  	v5 =	vor.u32 $0x100, v1;
	_ =	sdelay $0x3  }
0x52: {  	[tilespmem:v53+s13+$0x0] =	vst.idx.add.f32.msk $0xffff, v3  }
0x53: {  	v54 =	vor.u32 $0x100, v2;
	v3 =	vld.idx.msk [tilespmem:v5+s2+$0x0], $0xffff  }
0x54: {  	v1 =	vor.u32 $0x180, v1;
	_ =	sdelay $0x3  }
0x55: {  	[tilespmem:v54+s13+$0x0] =	vst.idx.add.f32.msk $0xffff, v3  }
0x56: {  	v2 =	vor.u32 $0x180, v2;
	v1 =	vld.idx.msk [tilespmem:v1+s2+$0x0], $0xffff;
	_ =	sdelay $0x4  }
0x57: {  	[tilespmem:v2+s13+$0x0] =	vst.idx.add.f32.msk $0xffff, v1  }
0x58: {  	v1 =	vld [tilespmem:s19+$0x13C10];
	_ =	sdelay $0x4  }
0x59: {  	v2 =	vld [tilespmem:s19+$0x15010];
	v3 =	vshll.u32 v1, $0x2  }
0x5a: {  	v1 =	vand.u32 $0x7F, v1;
	v3 =	vand.u32 $0xFFFFFE00, v3  }
0x5b: {  	v1 =	vor.u32 v1, v3;
	_ =	sdelay $0x2  }
0x5c: {  	v3 =	vshll.u32 v2, $0x2  }
0x5d: {  	v2 =	vand.u32 $0x7F, v2;
	v3 =	vand.u32 $0xFFFFFE00, v3  }
0x5e: {  	v2 =	vor.u32 v2, v3;
	v4 =	vld.idx.msk [tilespmem:v1+s2+$0x0], $0xffff  }
0x5f: {  	v3 =	vor.u32 $0x80, v1;
	_ =	sdelay $0x3  }
0x60: {  	[tilespmem:v2+s13+$0x0] =	vst.idx.add.f32.msk $0xffff, v4  }
0x61: {  	v55 =	vor.u32 $0x80, v2;
	v3 =	vld.idx.msk [tilespmem:v3+s2+$0x0], $0xffff  }
0x62: {  	v56 =	vor.u32 $0x100, v1;
	_ =	sdelay $0x3  }
0x63: {  	[tilespmem:v55+s13+$0x0] =	vst.idx.add.f32.msk $0xffff, v3  }
0x64: {  	v57 =	vor.u32 $0x100, v2;
	v3 =	vld.idx.msk [tilespmem:v56+s2+$0x0], $0xffff  }
0x65: {  	v1 =	vor.u32 $0x180, v1;
	_ =	sdelay $0x3  }
0x66: {  	[tilespmem:v57+s13+$0x0] =	vst.idx.add.f32.msk $0xffff, v3  }
0x67: {  	v2 =	vor.u32 $0x180, v2;
	v1 =	vld.idx.msk [tilespmem:v1+s2+$0x0], $0xffff;
	_ =	sdelay $0x4  }
0x68: {  	[tilespmem:v2+s13+$0x0] =	vst.idx.add.f32.msk $0xffff, v1  }
0x69: {  	v1 =	vld [tilespmem:s19+$0x13C20];
	_ =	sdelay $0x4  }
0x6a: {  	v2 =	vld [tilespmem:s19+$0x15020];
	v3 =	vshll.u32 v1, $0x2  }
0x6b: {  	v1 =	vand.u32 $0x7F, v1;
	v3 =	vand.u32 $0xFFFFFE00, v3  }
0x6c: {  	v1 =	vor.u32 v1, v3;
	_ =	sdelay $0x2  }
0x6d: {  	v3 =	vshll.u32 v2, $0x2  }
0x6e: {  	v2 =	vand.u32 $0x7F, v2;
	v3 =	vand.u32 $0xFFFFFE00, v3  }
0x6f: {  	v2 =	vor.u32 v2, v3;
	v4 =	vld.idx.msk [tilespmem:v1+s2+$0x0], $0xffff  }
0x70: {  	v3 =	vor.u32 $0x80, v1;
	_ =	sdelay $0x3  }
0x71: {  	[tilespmem:v2+s13+$0x0] =	vst.idx.add.f32.msk $0xffff, v4  }
0x72: {  	v58 =	vor.u32 $0x80, v2;
	v3 =	vld.idx.msk [tilespmem:v3+s2+$0x0], $0xffff  }
0x73: {  	v59 =	vor.u32 $0x100, v1;
	_ =	sdelay $0x3  }
0x74: {  	[tilespmem:v58+s13+$0x0] =	vst.idx.add.f32.msk $0xffff, v3  }
0x75: {  	v60 =	vor.u32 $0x100, v2;
	v3 =	vld.idx.msk [tilespmem:v59+s2+$0x0], $0xffff  }
0x76: {  	v1 =	vor.u32 $0x180, v1;
	_ =	sdelay $0x3  }
0x77: {  	[tilespmem:v60+s13+$0x0] =	vst.idx.add.f32.msk $0xffff, v3  }
0x78: {  	v2 =	vor.u32 $0x180, v2;
	v1 =	vld.idx.msk [tilespmem:v1+s2+$0x0], $0xffff;
	_ =	sdelay $0x4  }
0x79: {  	[tilespmem:v2+s13+$0x0] =	vst.idx.add.f32.msk $0xffff, v1  }
0x7a: {  	v1 =	vld [tilespmem:s19+$0x13C30];
	_ =	sdelay $0x4  }
0x7b: {  	v2 =	vld [tilespmem:s19+$0x15030];
	v3 =	vshll.u32 v1, $0x2  }
0x7c: {  	v1 =	vand.u32 $0x7F, v1;
	v3 =	vand.u32 $0xFFFFFE00, v3  }
0x7d: {  	v1 =	vor.u32 v1, v3;
	_ =	sdelay $0x2  }
0x7e: {  	v3 =	vshll.u32 v2, $0x2  }
0x7f: {  	v2 =	vand.u32 $0x7F, v2;
	v3 =	vand.u32 $0xFFFFFE00, v3  }
0x80: {  	v2 =	vor.u32 v2, v3;
	v4 =	vld.idx.msk [tilespmem:v1+s2+$0x0], $0xffff  }
0x81: {  	v3 =	vor.u32 $0x80, v1;
	_ =	sdelay $0x3  }
0x82: {  	[tilespmem:v2+s13+$0x0] =	vst.idx.add.f32.msk $0xffff, v4  }
0x83: {  	v61 =	vor.u32 $0x80, v2;
	v3 =	vld.idx.msk [tilespmem:v3+s2+$0x0], $0xffff  }
0x84: {  	v62 =	vor.u32 $0x100, v1;
	_ =	sdelay $0x3  }
0x85: {  	[tilespmem:v61+s13+$0x0] =	vst.idx.add.f32.msk $0xffff, v3  }
0x86: {  	v63 =	vor.u32 $0x100, v2;
	v3 =	vld.idx.msk [tilespmem:v62+s2+$0x0], $0xffff  }
0x87: {  	v1 =	vor.u32 $0x180, v1;
	_ =	sdelay $0x3  }
0x88: {  	[tilespmem:v63+s13+$0x0] =	vst.idx.add.f32.msk $0xffff, v3  }
0x89: {  	p0 =	sne.s32 s18, $0x4D00;
	v2 =	vor.u32 $0x180, v2;
	v1 =	vld.idx.msk [tilespmem:v1+s2+$0x0], $0xffff  }
.Ltmp1:
0x8a: {  	_ = 	snop;
	(pc) =	sbr.rel @p0 .LBB2_4-.Ltmp1, $2  }
0x8b: {  	_ =	sdelay $0x2  }
0x8c: {  	s18 =	sadd.s32 $0x100, s18;
	[tilespmem:v2+s13+$0x0] =	vst.idx.add.f32.msk $0xffff, v1  }
0x8d: {  	v1 =	vld [tilespmem:$0x14F80];
	_ =	sdelay $0x4  }
0x8e: {  	v2 =	vld [tilespmem:$0x16380];
	v1 =	vnsel vm0, $0x0, v1  }
0x8f: {  	v3 =	vshll.u32 v1, $0x2  }
0x90: {  	v1 =	vand.u32 $0x7F, v1;
	v3 =	vand.u32 $0xFFFFFE00, v3  }
0x91: {  	v1 =	vor.u32 v1, v3;
	_ =	sdelay $0x1  }
0x92: {  	v2 =	vnsel vm0, $0x0, v2  }
0x93: {  	v3 =	vshll.u32 v2, $0x2  }
0x94: {  	v2 =	vand.u32 $0x7F, v2;
	v3 =	vand.u32 $0xFFFFFE00, v3  }
0x95: {  	v2 =	vor.u32 v2, v3;
	v4 =	vld.idx.msk [tilespmem:v1+s2+$0x0], $0xffff  }
0x96: {  	v3 =	vor.u32 $0x80, v1;
	_ =	sdelay $0x3  }
0x97: {  	[tilespmem:v2+s13+$0x0] =	vst.idx.add.f32.msk $0xff, v4  }
0x98: {  	v62 =	vor.u32 $0x80, v2;
	v3 =	vld.idx.msk [tilespmem:v3+s2+$0x0], $0xffff  }
0x99: {  	v5 =	vor.u32 $0x100, v1;
	_ =	sdelay $0x3  }
0x9a: {  	[tilespmem:v62+s13+$0x0] =	vst.idx.add.f32.msk $0xff, v3  }
0x9b: {  	v63 =	vor.u32 $0x100, v2;
	v3 =	vld.idx.msk [tilespmem:v5+s2+$0x0], $0xffff  }
0x9c: {  	v1 =	vor.u32 $0x180, v1;
	_ =	sdelay $0x3  }
0x9d: {  	[tilespmem:v63+s13+$0x0] =	vst.idx.add.f32.msk $0xff, v3  }
0x9e: {  	v2 =	vor.u32 $0x180, v2;
	v1 =	vld.idx.msk [tilespmem:v1+s2+$0x0], $0xffff;
	_ =	sdelay $0x2  }
0x9f: {  	s17 =	sadd.s32 $0x1, s17  }
0xa0: {  	p0 =	sne.s32 s17, s7  }
.Ltmp2:
0xa1: {  	[tilespmem:v2+s13+$0x0] =	vst.idx.add.f32.msk $0xff, v1;
	(pc) =	sbr.rel @p0 .LBB2_1-.Ltmp2, $4  }
0xa2: {  	[hbm4b:s6+s14] =	stream.strided.scatter [tilespmem:s13], [sflag:$0x4], $0x9E00, s15, s14, $0x38;
	[tilespmem:$0x16400] =	vst v63  }
0xa3: {  	_ =	swait.ge [sflag:s16], $0x9E00  }
0xa4: {  	[sflag:s16] =	ssyncset.done $0x0  }
0xa5: {  	[sflag:s16] =	ssyncadd.s32 $0xFFFF6200  }
0xa6: {  	_ =	sfence.sel $0x180000  }
0xa7: {  	[bflag:$0x0] =	sbarrier.arrive $0xFFFF  }
0xa8: {  	p0 =	sne.s32 s1, $0x0;
	_ =	strace $0x9000004A  }
0xa9: {  	s0 =	sadd.s32 @!p0 $0x100000, s0;
	[bflag:$0x2] =	sbarrier.arrive $0xFFFF  }
0xaa: {  	[sflag:s0] =	ssyncadd.tile.s32 @!p0 $0x1;
	_ =	shalt  }
.Lfunc_end2:
_tile_overlayer_lowered:
.L_overlay_start_2:
0xab: {  	(tag) =	ssettag $0x2  }
0xac: {  	s0 =	rddreg [dreg:$0x0];
	s2 =	stileid.u32  }
0xad: {  	s1 =	rddreg [dreg:$0x1];
	p0 =	sne.s32 s2, $0x0  }
0xae: {  	s3 =	rddreg [dreg:$0x2];
	[bflag:$0x3] =	sbarrier.arrive $0xFFFF;
	s2 =	simm.s32 @!p0 $0x1C04  }
0xaf: {  	[timem:s3], [sflag:s2] =	dma.local @!p0 [hbm:s0], s1  }
0xb0: {  	s0 =	simm.s32 @!p0 $0x4  }
0xb1: {  	_ =	swait.ge @!p0 [sflag:s0], s1  }
0xb2: {  	s1 =	ssub.s32 @!p0 $0x0, s1;
	[sflag:s0] =	ssyncset.done @!p0 $0x0  }
0xb3: {  	[sflag:s0] =	ssyncadd.s32 @!p0 s1  }
0xb4: {  	[bflag:$0x3] =	sbarrier.arrive $0xFFFF  }
0xb5: {  	_ =	shalt  }

// kernel: kernel.15.cloned.1.call-start
scs
__scs_entry_jumppad:
0x0: {  	(pc) =	sbr.rel $0x88, $3  }
0x1: {  	(tag) =	ssettag $0x0;
	lr =	simm.s32 $0x1  }
0x2: {  	[smem:$0x3F96] =	sst lr;
	_ =	strace $0xD0000000  }
0x3: {  	_ = 	snop  }
0x4: {  	_ = 	snop  }
0x5: {  	_ = 	snop  }
0x6: {  	_ = 	snop  }
0x7: {  	_ = 	snop  }
__scs_overlays_trampoline_lowered:
0x8: {  	[smem:$0x3FA5] =	sst s0  }
0x9: {  	[smem:$0x3FA6] =	sst s1  }
0xa: {  	[smem:$0x3FA7] =	sst s2  }
0xb: {  	[smem:$0x3FA8] =	sst s3  }
0xc: {  	[smem:$0x3FA9] =	sst s4  }
0xd: {  	[smem:$0x3FAA] =	sst s5  }
0xe: {  	[smem:$0x3FAB] =	sst s6  }
0xf: {  	[smem:$0x3FAC] =	sst s7  }
0x10: {  	[smem:$0x3FAD] =	sst s8  }
0x11: {  	[smem:$0x3FAE] =	sst s9;
	s0 =	simm.s32 @!p0 $0x0  }
0x12: {  	s1 =	sld [smem:$0x3F94];
	s0 =	simm.s32 @p0 $0x1  }
0x13: {  	[smem:$0x3FAF] =	sst s0;
	s0 =	simm.s32 @!p1 $0x0  }
0x14: {  	s2 =	sld [smem:$0x3F93];
	s0 =	simm.s32 @p1 $0x1  }
0x15: {  	[smem:$0x3FB0] =	sst s0;
	s0 =	simm.s32 @!p2 $0x0  }
0x16: {  	s3 =	sld [smem:$0x3FDB];
	s0 =	simm.s32 @p2 $0x1  }
0x17: {  	s4 =	simm.s32 $0x1BF5;
	[smem:$0x3FB2] =	sst s0  }
0x18: {  	s0 =	sld [smem:$0x3F95];
	_ =	swait.ge [sflag:s4], $0x0  }
0x19: {  	s7 =	sld [smem:$0x3F96]  }
0x1a: {  	s8 =	sadd.s32 $0xFFFFE003, lr  }
0x1b: {  	s9 =	sadd.s32 $0xFFFFFEF7, lr;
	s5 =	simm.s32 $0xFFFFFFFF;
	p2 =	slt.u32 s8, $0xFFFFF086  }
0x1c: {  	p1 =	slt.u32 s9, $0xF7A;
	s5 =	simm.s32 @!p2 $0x0  }
0x1d: {  	s5 =	simm.s32 @p1 $0x1;
	p0 =	seq.s32 s7, s2  }
0x1e: {  	s7 =	smul.u32 @!p0 $0xF7A, s2;
	p2 =	seq.s32 @!p0 s5, $0x0  }
0x1f: {  	s9 =	smul.u32 $0xF7A, s1;
	s8 =	simm.s32 @!p0 $0x1BF5;
	p2 =	por !p2, p0  }
0x20: {  	[sflag:s8] =	ssyncset.s32 @!p0 $0xFFFFF086;
	s6 =	sadd.s32 @!p0 s3, s7;
	s7 =	simm.s32 @!p0 $0x108  }
0x21: {  	s3 =	sadd.s32 s3, s9;
	s6 =	sadd.s32 @!p0 $0x88, s6;
	s7 =	simm.s32 @p2 $0x1082  }
0x22: {  	[simem:s7], [sflag:s8] =	dma.local @!p0 [hbm:s6], $0xF7A  }
0x23: {  	s9 =	sor.u32 $0xD0000000, s2;
	s6 =	simm.s32 $0x108;
	_ =	swait.ge @!p0 [sflag:s8], $0x0  }
0x24: {  	s3 =	sadd.s32 $0x88, s3;
	s6 =	simm.s32 @!p1 $0x1082;
	[sflag:s4] =	ssyncset.s32 $0xFFFFF086  }
0x25: {  	[simem:s6], [sflag:s4] =	dma.local [hbm:s3], $0xF7A  }
0x26: {  	[smem:$0x3F96] =	sst s1;
	(tag) =	ssettag s2;
	_ =	strace s9  }
0x27: {  	s1 =	sld [smem:$0x3FA6]  }
0x28: {  	s2 =	sld [smem:$0x3FA7]  }
0x29: {  	s4 =	sld [smem:$0x3FA9]  }
0x2a: {  	p0 =	seq.s32 s5, $0x0;
	s5 =	sld [smem:$0x3FAA]  }
0x2b: {  	s6 =	sld [smem:$0x3FAB]  }
0x2c: {  	s7 =	sld [smem:$0x3FAC]  }
0x2d: {  	s3 =	simm.s32 $0x108;
	s8 =	sld [smem:$0x3FAD]  }
0x2e: {  	s3 =	simm.s32 @!p0 $0x1082;
	s9 =	sld [smem:$0x3FAE]  }
0x2f: {  	lr =	sadd.s32 s0, s3;
	s0 =	sld [smem:$0x3FA5]  }
0x30: {  	s3 =	sld [smem:$0x3FA8]  }
0x31: {  	[smem:$0x3FB1] =	sst s10  }
0x32: {  	s10 =	sld [smem:$0x3FAF];
	_ =	sdelay $0x3  }
0x33: {  	p0 =	seq.s32 s10, $0x1;
	s10 =	sld [smem:$0x3FB1];
	_ =	sdelay $0x3  }
0x34: {  	[smem:$0x3FB1] =	sst s10  }
0x35: {  	s10 =	sld [smem:$0x3FB0];
	_ =	sdelay $0x3  }
0x36: {  	p1 =	seq.s32 s10, $0x1;
	s10 =	sld [smem:$0x3FB1];
	_ =	sdelay $0x3  }
0x37: {  	[smem:$0x3FB1] =	sst s10  }
0x38: {  	s10 =	sld [smem:$0x3FB2]  }
0x39: {  	_ = 	snop;
	(pc) =	sbr.ind lr, $3  }
0x3a: {  	_ = 	snop  }
0x3b: {  	_ = 	snop  }
0x3c: {  	p2 =	seq.s32 s10, $0x1;
	s10 =	sld [smem:$0x3FB1]  }
0x3d: {  	_ =	shalt  }
0x3e: {  	_ =	shalt  }
0x3f: {  	_ =	shalt  }
0x40: {  	_ =	shalt  }
0x41: {  	_ =	shalt  }
0x42: {  	_ =	shalt  }
0x43: {  	_ =	shalt  }
0x44: {  	_ =	shalt  }
0x45: {  	_ =	shalt  }
0x46: {  	_ =	shalt  }
0x47: {  	_ =	shalt  }
0x48: {  	_ =	shalt  }
0x49: {  	_ =	shalt  }
0x4a: {  	_ =	shalt  }
0x4b: {  	_ =	shalt  }
0x4c: {  	_ =	shalt  }
0x4d: {  	_ =	shalt  }
0x4e: {  	_ =	shalt  }
0x4f: {  	_ =	shalt  }
0x50: {  	_ =	shalt  }
0x51: {  	_ =	shalt  }
0x52: {  	_ =	shalt  }
0x53: {  	_ =	shalt  }
0x54: {  	_ =	shalt  }
0x55: {  	_ =	shalt  }
0x56: {  	_ =	shalt  }
0x57: {  	_ =	shalt  }
0x58: {  	_ =	shalt  }
0x59: {  	_ =	shalt  }
0x5a: {  	_ =	shalt  }
0x5b: {  	_ =	shalt  }
0x5c: {  	_ =	shalt  }
0x5d: {  	_ =	shalt  }
0x5e: {  	_ =	shalt  }
0x5f: {  	_ =	shalt  }
0x60: {  	_ =	shalt  }
0x61: {  	_ =	shalt  }
0x62: {  	_ =	shalt  }
0x63: {  	_ =	shalt  }
0x64: {  	_ =	shalt  }
0x65: {  	_ =	shalt  }
0x66: {  	_ =	shalt  }
0x67: {  	_ =	shalt  }
0x68: {  	_ =	shalt  }
0x69: {  	_ =	shalt  }
0x6a: {  	_ =	shalt  }
0x6b: {  	_ =	shalt  }
0x6c: {  	_ =	shalt  }
0x6d: {  	_ =	shalt  }
0x6e: {  	_ =	shalt  }
0x6f: {  	_ =	shalt  }
0x70: {  	_ =	shalt  }
0x71: {  	_ =	shalt  }
0x72: {  	_ =	shalt  }
0x73: {  	_ =	shalt  }
0x74: {  	_ =	shalt  }
0x75: {  	_ =	shalt  }
0x76: {  	_ =	shalt  }
0x77: {  	_ =	shalt  }
0x78: {  	_ =	shalt  }
0x79: {  	_ =	shalt  }
0x7a: {  	_ =	shalt  }
0x7b: {  	_ =	shalt  }
0x7c: {  	_ =	shalt  }
0x7d: {  	_ =	shalt  }
0x7e: {  	_ =	shalt  }
0x7f: {  	_ =	shalt  }
0x80: {  	_ =	shalt  }
0x81: {  	_ =	shalt  }
0x82: {  	_ =	shalt  }
0x83: {  	_ =	shalt  }
0x84: {  	_ =	shalt  }
0x85: {  	_ =	shalt  }
0x86: {  	_ =	shalt  }
0x87: {  	_ =	shalt  }
.Lfunc_end0:
.L_simem_size_0:
called_computation.2_lowered:
.L_overlay_start_0:
0x88: {  	s2 =	sld [smem:$0x3FD9]  }
0x89: {  	s3 =	sld [smem:$0x3FFE];
	_ =	sdelay $0x1  }
0x8a: {  	s1 =	srdreg.scid  }
0x8b: {  	s0 =	sand.u32 $0x1, s1  }
0x8c: {  	s17 =	sshll.u32 s0, $0xA;
	s2 =	sadd.s32 s3, s2  }
0x8d: {  	s2 =	sadd.s32 s2, s17  }
0x8e: {  	[smem:$0x3FBD] =	sst s2  }
0x8f: {  	_ = 	snop  }
0x90: {  	s2 =	sld [smem:$0x3FD0];
	(tm) =	ssettm $0x1  }
0x91: {  	s18 =	sld [smem:$0x3FFB];
	_ =	sdelay $0x3  }
0x92: {  	_ =	strace s18  }
0x93: {  	s3 =	sld [smem:$0x3FFC];
	_ =	sdelay $0x3  }
0x94: {  	_ =	strace s3  }
0x95: {  	s3 =	sld [smem:$0x3FFD];
	_ =	sdelay $0x3  }
0x96: {  	_ =	strace s3  }
0x97: {  	_ =	strace $0x8FFFFFFF  }
0x98: {  	s19 =	sld [smem:$0x3FDB];
	_ =	sdelay $0x1  }
0x99: {  	s4 =	simm.s32 $_scs_section_size  }
0x9a: {  	s5 =	simm.s32 $_size__tile_overlayer_lowered;
	s6 =	simm.s32 $_tile_overlayer_lowered  }
0x9b: {  	s22 =	simm.s32 $0x1BFF;
	s21 =	sshll.u32 s6, $0x1;
	s3 =	sadd.s32 s4, s19  }
0x9c: {  	s7 =	simm.s32 $0x0;
	s20 =	sshll.u32 s5, $0x1;
	s5 =	sadd.s32 s21, s3  }
0x9d: {  	[timem:s7], [sflag:s22] =	dma.local [hbm:s5], s20  }
0x9e: {  	_ =	swait.ge [sflag:s22], s20  }
0x9f: {  	s4 =	ssub.s32 $0x0, s20;
	[sflag:s22] =	ssyncset.done $0x0  }
0xa0: {  	[sflag:s22] =	ssyncadd.s32 s4;
	_ =	sdelay $0x1  }
0xa1: {  	s23 =	simm.s32 $0x1B8B  }
0xa2: {  	_ =	swait.ge [sflag:s23], $0x1  }
0xa3: {  	[sflag:s23] =	ssyncset.done $0x0  }
0xa4: {  	s25 =	simm.s32 $0x1B8E;
	s24 =	sld [smem:$0x3FFE];
	[sflag:s23] =	ssyncadd.s32 $0xFFFFFFFF  }
0xa5: {  	s26 =	simm.s32 $execute0_lowered;
	[smem:$0x3FD2] =	sst s25  }
0xa6: {  	s5 =	sshll.u32 s26, $0x1;
	_ =	strace $0x8000004C;
	[dreg:$0x1] =	wrdreg $0xFFFFFFFF  }
0xa7: {  	s28 =	simm.s32 $_size_execute0_lowered;
	s3 =	sadd.s32 s3, s5;
	[dreg:$0x0] =	wrdreg $0x0  }
0xa8: {  	s5 =	sshll.u32 s28, $0x1;
	[dreg:$0x2] =	wrdreg s3  }
0xa9: {  	[dreg:$0x3] =	wrdreg s5  }
0xaa: {  	[dreg:$0x4] =	wrdreg $0xC0  }
0xab: {  	_ =	task [dreg:s7], $0x5FFFF  }
0xac: {  	[dreg:$0x1] =	wrdreg $0xFFFFFFFF  }
0xad: {  	[dreg:$0x0] =	wrdreg $0x60  }
0xae: {  	[dreg:$0x2] =	wrdreg s2  }
0xaf: {  	[dreg:$0x3] =	wrdreg s24  }
0xb0: {  	[dreg:$0x4] =	wrdreg $0x9  }
0xb1: {  	_ =	task.clear_ibuf [dreg:s7], $0x5FFFF;
	_ =	strace $0x9000004C  }
0xb2: {  	s29 =	simm.s32 $0x9;
	_ =	strace $0x8000004E  }
0xb3: {  	_ =	swait.ge [sflag:s29], $0x1  }
0xb4: {  	[sflag:s29] =	ssyncadd.s32 $0xFFFFFFFF  }
0xb5: {  	_ =	strace $0x9000004E  }
0xb6: {  	_ =	sfence  }
0xb7: {  	s30 =	sld [smem:$0x0];
	_ =	sdelay $0x2  }
0xb8: {  	s31 =	sshll.u32 s1, $0xD;
	s1 =	sshrl.u32 s1, $0x2  }
0xb9: {  	s3 =	sand.u32 $0x4000, s31;
	s1 =	sadd.s32 s1, s30  }
0xba: {  	s0 =	sor.u32 s3, s0;
	s1 =	sshll.u32 s1, $0x11  }
0xbb: {  	s0 =	sor.u32 s1, s0  }
0xbc: {  	s0 =	sadd.s32 $0x8F2B, s0  }
0xbd: {  	[sflag:s0] =	ssyncadd.remote.s32 $0x1  }
0xbe: {  	_ =	sfence.sel $0xFFFF  }
0xbf: {  	[dreg:$0x0] =	wrdreg $0xFFFFFFFF;
	(pc) =	sbr.abs _section_cstart, $3  }
0xc0: {  	[dreg:$0x1] =	wrdreg $0xFFFFFFFF  }
0xc1: {  	_ =	task.clear_ibuf [dreg:s7], $0x2FFFF;
	_ =	strace $0x9FFFFFFF  }
0xc2: {  	(tm) =	ssettm $0x7FFFFFFF  }
0xc3: {  	_ =	shalt  }
tec
execute0_lowered:
.L_overlay_start_1:
0x0: {  	(tag) =	ssettag $0x1  }
0x1: {  	s2 =	rddreg [dreg:$0x0];
	s1 =	srdreg.scid  }
0x2: {  	s0 =	stileid.u32;
	s4 =	rddreg [dreg:$0x1];
	s9 =	simm.s32 $0xB200  }
0x3: {  	s10 =	simm.s32 $0x1;
	s11 =	simm.s32 $0x2;
	s12 =	simm.s32 $0x3  }
0x4: {  	s13 =	simm.s32 $0x4F00;
	s14 =	simm.s32 $0x100;
	s15 =	simm.s32 $0x400  }
0x5: {  	s16 =	simm.s32 $0x4;
	s17 =	simm.s32 $0x0;
	s5 =	sand.u32 $0x1, s1  }
0x6: {  	s3 =	sshll.u32 s0, $0x1;
	s1 =	rddreg [dreg:$0x2];
	s7 =	sshrl.u32 s0, $0x1  }
0x7: {  	s6 =	sor.u32 s5, s3;
	s3 =	simm.s32 $0x0;
	s7 =	smul.u32 $0x13C00, s7  }
0x8: {  	s5 =	ssub.s32 $0x2, s5;
	s8 =	sshll.u32 s6, $0x8;
	s6 =	smul.u32 $0x1388, s6  }
0x9: {  	[smem:$0x7FF] =	sst s3;
	s30 =	sshrl.u32 s5, $0x1;
	s8 =	sand.u32 $0x300, s8  }
0xa: {  	_ =	strace $0x8000004D;
	s7 =	sor.u32 s7, s8;
	s6 =	sshrl.u32 s6, $0x3  }
0xb: {  	s31 =	ssub.s32 s5, s30;
	s7 =	sshrl.u32 s7, $0x3;
	s6 =	sadd.s32 s6, s4  }
0xc: {  	s8 =	simm.s32 $0x9E00;
	s7 =	sadd.s32 s7, s4;
	s4 =	sadd.s32 $0x2E00, s6  }
0xd: {  	v0 =	vimm.f32 $0.0e+00;
	vm0 =	vmmov $0xff;
	s5 =	sadd.s32 $0x7C20, s6;
	s6 =	sadd.s32 $0xCC00, s7;
	s7 =	smax.u32 s31, $0x1  }
.LBB2_1:
0xe: {  	[tilespmem:s3], [sflag:$0x1] =	stream.linear.gather [hbm4b:s2+s3], $0x4F00, $0x38;
	[tilespmem:$0xC600] =	vst v63  }
0xf: {  	s18 =	simm.s32 $0x40;
	s19 =	simm.s32 $0x0  }
0x10: {  	s20 =	sand.u32 $0x7F00, s3;
	s21 =	simm.s32 $0x10;
	s19 =	sand.u32 $0x70, s19  }
0x11: {  	[tilespmem:s8], [sflag:$0x2] =	stream.linear.gather [hbm4b:s4+s3], $0x1388, $0x38;
	[tilespmem:$0xC600] =	vst v63  }
0x12: {  	s22 =	simm.s32 $0x20;
	s31 =	simm.s32 $0x20;
	s19 =	sor.u32 s19, s20  }
0x13: {  	[tilespmem:s9], [sflag:$0x3] =	stream.linear.gather [hbm4b:s5+s3], $0x1388, $0x38;
	[tilespmem:$0xC600] =	vst v63  }
0x14: {  	s23 =	simm.s32 $0x40;
	s29 =	sand.u32 $0x70, s21;
	s30 =	sand.u32 $0xFF00, s22;
	[tilespmem:s19+$0x4F00] =	vst v0  }
0x15: {  	s22 =	sand.u32 $0x70, s31;
	s23 =	sand.u32 $0xFF00, s23;
	s20 =	sor.u32 s29, s30;
	[tilespmem:s19+$0x4F80] =	vst v0  }
0x16: {  	s24 =	simm.s32 $0x60;
	s21 =	simm.s32 $0x80;
	s22 =	sor.u32 s22, s23;
	[tilespmem:s20+$0x4F00] =	vst v0  }
0x17: {  	s23 =	simm.s32 $0x30;
	s19 =	simm.s32 $0xA0;
	[tilespmem:s20+$0x4F80] =	vst v0;
	s20 =	simm.s32 $0x40  }
.LBB2_2:
0x18: {  	s23 =	sand.u32 $0x70, s23  }
0x19: {  	[tilespmem:s22+$0x4F00] =	vst v0;
	s24 =	sand.u32 $0xFF00, s24;
	s18 =	sadd.s32 $0x50, s18;
	s25 =	smov.u32 s19  }
0x1a: {  	p0 =	sne.s32 s19, $0x4D80;
	s19 =	sadd.s32 $0xA0, s19;
	[tilespmem:s22+$0x4F80] =	vst v0;
	s22 =	sor.u32 s23, s24  }
0x1b: {  	s21 =	sand.u32 $0xFF00, s21;
	s23 =	sand.u32 $0x70, s20;
	s20 =	smov.u32 s18;
	[tilespmem:s22+$0x4F00] =	vst v0  }
0x1c: {  	s24 =	sadd.s32 $0xFFFFFFC0, s18;
	s21 =	sor.u32 s23, s21;
	[tilespmem:s22+$0x4F80] =	vst v0  }
0x1d: {  	s23 =	sand.u32 $0x7F00, s25;
	s22 =	sand.u32 $0x70, s24;
	s24 =	sadd.s32 $0x20, s25;
	[tilespmem:s21+$0x4F00] =	vst v0  }
.Ltmp0:
0x1e: {  	s22 =	sor.u32 s22, s23;
	s23 =	sadd.s32 $0xFFFFFFD0, s18;
	[tilespmem:s21+$0x4F80] =	vst v0;
	(pc) =	sbr.rel @p0 .LBB2_2-.Ltmp0, $4  }
0x1f: {  	s21 =	sand.u32 $0x70, s23;
	s23 =	sand.u32 $0xFF00, s24;
	[tilespmem:s22+$0x4F00] =	vst v0  }
0x20: {  	[tilespmem:s22+$0x4F80] =	vst v0;
	s22 =	sor.u32 s21, s23;
	s21 =	sadd.s32 $0xFFFFFFE0, s18;
	s23 =	sadd.s32 $0x40, s25  }
0x21: {  	[tilespmem:s22+$0x4F00] =	vst v0;
	s24 =	sand.u32 $0x70, s21;
	s23 =	sand.u32 $0xFF00, s23;
	s21 =	sadd.s32 $0x80, s25  }
0x22: {  	[tilespmem:s22+$0x4F80] =	vst v0;
	s22 =	sor.u32 s24, s23;
	s23 =	sadd.s32 $0xFFFFFFF0, s18;
	s24 =	sadd.s32 $0x60, s25  }
0x23: {  	[tilespmem:s22+$0x4F00] =	vst v0;
	s18 =	sand.u32 $0x70, s23;
	s19 =	sand.u32 $0xFF00, s24  }
0x24: {  	[tilespmem:s22+$0x4F80] =	vst v0;
	s18 =	sor.u32 s18, s19  }
0x25: {  	s29 =	sand.u32 $0x70, s20;
	s30 =	sand.u32 $0xFF00, s21;
	[tilespmem:s18+$0x4F00] =	vst v0  }
0x26: {  	s31 =	sor.u32 s29, s30;
	[tilespmem:s18+$0x4F80] =	vst v0  }
0x27: {  	[tilespmem:s31+$0x4F00] =	vst v0  }
0x28: {  	[tilespmem:s31+$0x4F80] =	vst v0  }
0x29: {  	_ =	swait.ge [sflag:s10], $0x4F00  }
0x2a: {  	[sflag:s10] =	ssyncset.done $0x0  }
0x2b: {  	[sflag:s10] =	ssyncadd.s32 $0xFFFFB100  }
0x2c: {  	_ =	swait.ge [sflag:s11], $0x1388  }
0x2d: {  	[sflag:s11] =	ssyncset.done $0x0  }
0x2e: {  	[sflag:s11] =	ssyncadd.s32 $0xFFFFEC78  }
0x2f: {  	_ =	swait.ge [sflag:s12], $0x1388  }
0x30: {  	[sflag:s12] =	ssyncset.done $0x0  }
0x31: {  	s18 =	simm.s32 $0x0;
	[sflag:s12] =	ssyncadd.s32 $0xFFFFEC78  }
.LBB2_4:
0x32: {  	s19 =	sshra.s32 s18, $0x2  }
0x33: {  	v1 =	vld [tilespmem:s19+$0x9E00];
	_ =	sdelay $0x4  }
0x34: {  	v2 =	vld [tilespmem:s19+$0xB200];
	v3 =	vshll.u32 v1, $0x1  }
0x35: {  	v1 =	vand.u32 $0x7F, v1;
	v3 =	vand.u32 $0xFFFFFF00, v3  }
0x36: {  	v1 =	vor.u32 v1, v3;
	_ =	sdelay $0x2  }
0x37: {  	v3 =	vshll.u32 v2, $0x1  }
0x38: {  	v2 =	vand.u32 $0x7F, v2;
	v3 =	vand.u32 $0xFFFFFF00, v3  }
0x39: {  	v2 =	vor.u32 v2, v3;
	v4 =	vld.idx.msk [tilespmem:v1+s3+$0x0], $0xffff  }
0x3a: {  	v1 =	vor.u32 $0x80, v1;
	_ =	sdelay $0x3  }
0x3b: {  	[tilespmem:v2+s13+$0x0] =	vst.idx.add.f32.msk $0xffff, v4  }
0x3c: {  	v2 =	vor.u32 $0x80, v2;
	v1 =	vld.idx.msk [tilespmem:v1+s3+$0x0], $0xffff;
	_ =	sdelay $0x4  }
0x3d: {  	[tilespmem:v2+s13+$0x0] =	vst.idx.add.f32.msk $0xffff, v1  }
0x3e: {  	v1 =	vld [tilespmem:s19+$0x9E10];
	_ =	sdelay $0x4  }
0x3f: {  	v2 =	vld [tilespmem:s19+$0xB210];
	v3 =	vshll.u32 v1, $0x1  }
0x40: {  	v1 =	vand.u32 $0x7F, v1;
	v3 =	vand.u32 $0xFFFFFF00, v3  }
0x41: {  	v1 =	vor.u32 v1, v3;
	_ =	sdelay $0x2  }
0x42: {  	v3 =	vshll.u32 v2, $0x1  }
0x43: {  	v2 =	vand.u32 $0x7F, v2;
	v3 =	vand.u32 $0xFFFFFF00, v3  }
0x44: {  	v2 =	vor.u32 v2, v3;
	v4 =	vld.idx.msk [tilespmem:v1+s3+$0x0], $0xffff  }
0x45: {  	v1 =	vor.u32 $0x80, v1;
	_ =	sdelay $0x3  }
0x46: {  	[tilespmem:v2+s13+$0x0] =	vst.idx.add.f32.msk $0xffff, v4  }
0x47: {  	v2 =	vor.u32 $0x80, v2;
	v1 =	vld.idx.msk [tilespmem:v1+s3+$0x0], $0xffff;
	_ =	sdelay $0x4  }
0x48: {  	[tilespmem:v2+s13+$0x0] =	vst.idx.add.f32.msk $0xffff, v1  }
0x49: {  	v1 =	vld [tilespmem:s19+$0x9E20];
	_ =	sdelay $0x4  }
0x4a: {  	v2 =	vld [tilespmem:s19+$0xB220];
	v3 =	vshll.u32 v1, $0x1  }
0x4b: {  	v1 =	vand.u32 $0x7F, v1;
	v3 =	vand.u32 $0xFFFFFF00, v3  }
0x4c: {  	v1 =	vor.u32 v1, v3;
	_ =	sdelay $0x2  }
0x4d: {  	v3 =	vshll.u32 v2, $0x1  }
0x4e: {  	v2 =	vand.u32 $0x7F, v2;
	v3 =	vand.u32 $0xFFFFFF00, v3  }
0x4f: {  	v2 =	vor.u32 v2, v3;
	v4 =	vld.idx.msk [tilespmem:v1+s3+$0x0], $0xffff  }
0x50: {  	v1 =	vor.u32 $0x80, v1;
	_ =	sdelay $0x3  }
0x51: {  	[tilespmem:v2+s13+$0x0] =	vst.idx.add.f32.msk $0xffff, v4  }
0x52: {  	v2 =	vor.u32 $0x80, v2;
	v1 =	vld.idx.msk [tilespmem:v1+s3+$0x0], $0xffff;
	_ =	sdelay $0x4  }
0x53: {  	[tilespmem:v2+s13+$0x0] =	vst.idx.add.f32.msk $0xffff, v1  }
0x54: {  	v1 =	vld [tilespmem:s19+$0x9E30];
	_ =	sdelay $0x4  }
0x55: {  	v2 =	vld [tilespmem:s19+$0xB230];
	v3 =	vshll.u32 v1, $0x1  }
0x56: {  	v1 =	vand.u32 $0x7F, v1;
	v3 =	vand.u32 $0xFFFFFF00, v3  }
0x57: {  	v1 =	vor.u32 v1, v3;
	_ =	sdelay $0x2  }
0x58: {  	v3 =	vshll.u32 v2, $0x1  }
0x59: {  	v2 =	vand.u32 $0x7F, v2;
	v3 =	vand.u32 $0xFFFFFF00, v3  }
0x5a: {  	v2 =	vor.u32 v2, v3;
	v4 =	vld.idx.msk [tilespmem:v1+s3+$0x0], $0xffff  }
0x5b: {  	v1 =	vor.u32 $0x80, v1;
	_ =	sdelay $0x3  }
0x5c: {  	[tilespmem:v2+s13+$0x0] =	vst.idx.add.f32.msk $0xffff, v4  }
0x5d: {  	p0 =	sne.s32 s18, $0x4D00;
	v2 =	vor.u32 $0x80, v2;
	v1 =	vld.idx.msk [tilespmem:v1+s3+$0x0], $0xffff  }
.Ltmp1:
0x5e: {  	_ = 	snop;
	(pc) =	sbr.rel @p0 .LBB2_4-.Ltmp1, $2  }
0x5f: {  	_ =	sdelay $0x2  }
0x60: {  	s18 =	sadd.s32 $0x100, s18;
	[tilespmem:v2+s13+$0x0] =	vst.idx.add.f32.msk $0xffff, v1  }
0x61: {  	v1 =	vld [tilespmem:$0xB180];
	_ =	sdelay $0x4  }
0x62: {  	v2 =	vld [tilespmem:$0xC580];
	v1 =	vnsel vm0, $0x0, v1  }
0x63: {  	v3 =	vshll.u32 v1, $0x1  }
0x64: {  	v1 =	vand.u32 $0x7F, v1;
	v3 =	vand.u32 $0xFFFFFF00, v3  }
0x65: {  	v1 =	vor.u32 v1, v3;
	_ =	sdelay $0x1  }
0x66: {  	v2 =	vnsel vm0, $0x0, v2  }
0x67: {  	v3 =	vshll.u32 v2, $0x1  }
0x68: {  	v2 =	vand.u32 $0x7F, v2;
	v3 =	vand.u32 $0xFFFFFF00, v3  }
0x69: {  	v2 =	vor.u32 v2, v3;
	v4 =	vld.idx.msk [tilespmem:v1+s3+$0x0], $0xffff  }
0x6a: {  	v1 =	vor.u32 $0x80, v1;
	_ =	sdelay $0x3  }
0x6b: {  	[tilespmem:v2+s13+$0x0] =	vst.idx.add.f32.msk $0xff, v4  }
0x6c: {  	v2 =	vor.u32 $0x80, v2;
	v1 =	vld.idx.msk [tilespmem:v1+s3+$0x0], $0xffff;
	_ =	sdelay $0x2  }
0x6d: {  	s17 =	sadd.s32 $0x1, s17  }
0x6e: {  	p0 =	sne.s32 s17, s7  }
.Ltmp2:
0x6f: {  	[tilespmem:v2+s13+$0x0] =	vst.idx.add.f32.msk $0xff, v1;
	(pc) =	sbr.rel @p0 .LBB2_1-.Ltmp2, $4  }
0x70: {  	[hbm4b:s6+s14] =	stream.strided.scatter [tilespmem:s13], [sflag:$0x4], $0x4F00, s15, s14, $0x38;
	[tilespmem:$0xC600] =	vst v63  }
0x71: {  	_ =	swait.ge [sflag:s16], $0x4F00  }
0x72: {  	[sflag:s16] =	ssyncset.done $0x0  }
0x73: {  	[sflag:s16] =	ssyncadd.s32 $0xFFFFB100  }
0x74: {  	_ =	sfence.sel $0x180000  }
0x75: {  	[bflag:$0x0] =	sbarrier.arrive $0xFFFF  }
0x76: {  	p0 =	sne.s32 s0, $0x0;
	_ =	strace $0x9000004D  }
0x77: {  	s0 =	sadd.s32 @!p0 $0x100000, s1;
	[bflag:$0x2] =	sbarrier.arrive $0xFFFF  }
0x78: {  	[sflag:s0] =	ssyncadd.tile.s32 @!p0 $0x1;
	_ =	shalt  }
.Lfunc_end2:
_tile_overlayer_lowered:
.L_overlay_start_2:
0x79: {  	(tag) =	ssettag $0x2  }
0x7a: {  	s0 =	rddreg [dreg:$0x0];
	s2 =	stileid.u32  }
0x7b: {  	s1 =	rddreg [dreg:$0x1];
	p0 =	sne.s32 s2, $0x0  }
0x7c: {  	s3 =	rddreg [dreg:$0x2];
	[bflag:$0x3] =	sbarrier.arrive $0xFFFF;
	s2 =	simm.s32 @!p0 $0x1C04  }
0x7d: {  	[timem:s3], [sflag:s2] =	dma.local @!p0 [hbm:s0], s1  }
0x7e: {  	s0 =	simm.s32 @!p0 $0x4  }
0x7f: {  	_ =	swait.ge @!p0 [sflag:s0], s1  }
0x80: {  	s1 =	ssub.s32 @!p0 $0x0, s1;
	[sflag:s0] =	ssyncset.done @!p0 $0x0  }
0x81: {  	[sflag:s0] =	ssyncadd.s32 @!p0 s1  }
0x82: {  	[bflag:$0x3] =	sbarrier.arrive $0xFFFF  }
0x83: {  	_ =	shalt  }

// kernel: kernel.9.cloned.1.call-start
scs
__scs_entry_jumppad:
0x0: {  	(pc) =	sbr.rel $0x88, $3  }
0x1: {  	(tag) =	ssettag $0x0;
	lr =	simm.s32 $0x1  }
0x2: {  	[smem:$0x3F96] =	sst lr;
	_ =	strace $0xD0000000  }
0x3: {  	_ = 	snop  }
0x4: {  	_ = 	snop  }
0x5: {  	_ = 	snop  }
0x6: {  	_ = 	snop  }
0x7: {  	_ = 	snop  }
__scs_overlays_trampoline_lowered:
0x8: {  	[smem:$0x3FA5] =	sst s0  }
0x9: {  	[smem:$0x3FA6] =	sst s1  }
0xa: {  	[smem:$0x3FA7] =	sst s2  }
0xb: {  	[smem:$0x3FA8] =	sst s3  }
0xc: {  	[smem:$0x3FA9] =	sst s4  }
0xd: {  	[smem:$0x3FAA] =	sst s5  }
0xe: {  	[smem:$0x3FAB] =	sst s6  }
0xf: {  	[smem:$0x3FAC] =	sst s7  }
0x10: {  	[smem:$0x3FAD] =	sst s8  }
0x11: {  	[smem:$0x3FAE] =	sst s9;
	s0 =	simm.s32 @!p0 $0x0  }
0x12: {  	s1 =	sld [smem:$0x3F94];
	s0 =	simm.s32 @p0 $0x1  }
0x13: {  	[smem:$0x3FAF] =	sst s0;
	s0 =	simm.s32 @!p1 $0x0  }
0x14: {  	s2 =	sld [smem:$0x3F93];
	s0 =	simm.s32 @p1 $0x1  }
0x15: {  	[smem:$0x3FB0] =	sst s0;
	s0 =	simm.s32 @!p2 $0x0  }
0x16: {  	s3 =	sld [smem:$0x3FDB];
	s0 =	simm.s32 @p2 $0x1  }
0x17: {  	s4 =	simm.s32 $0x1BF5;
	[smem:$0x3FB2] =	sst s0  }
0x18: {  	s0 =	sld [smem:$0x3F95];
	_ =	swait.ge [sflag:s4], $0x0  }
0x19: {  	s7 =	sld [smem:$0x3F96]  }
0x1a: {  	s8 =	sadd.s32 $0xFFFFE003, lr  }
0x1b: {  	s9 =	sadd.s32 $0xFFFFFEF7, lr;
	s5 =	simm.s32 $0xFFFFFFFF;
	p2 =	slt.u32 s8, $0xFFFFF086  }
0x1c: {  	p1 =	slt.u32 s9, $0xF7A;
	s5 =	simm.s32 @!p2 $0x0  }
0x1d: {  	s5 =	simm.s32 @p1 $0x1;
	p0 =	seq.s32 s7, s2  }
0x1e: {  	s7 =	smul.u32 @!p0 $0xF7A, s2;
	p2 =	seq.s32 @!p0 s5, $0x0  }
0x1f: {  	s9 =	smul.u32 $0xF7A, s1;
	s8 =	simm.s32 @!p0 $0x1BF5;
	p2 =	por !p2, p0  }
0x20: {  	[sflag:s8] =	ssyncset.s32 @!p0 $0xFFFFF086;
	s6 =	sadd.s32 @!p0 s3, s7;
	s7 =	simm.s32 @!p0 $0x108  }
0x21: {  	s3 =	sadd.s32 s3, s9;
	s6 =	sadd.s32 @!p0 $0x88, s6;
	s7 =	simm.s32 @p2 $0x1082  }
0x22: {  	[simem:s7], [sflag:s8] =	dma.local @!p0 [hbm:s6], $0xF7A  }
0x23: {  	s9 =	sor.u32 $0xD0000000, s2;
	s6 =	simm.s32 $0x108;
	_ =	swait.ge @!p0 [sflag:s8], $0x0  }
0x24: {  	s3 =	sadd.s32 $0x88, s3;
	s6 =	simm.s32 @!p1 $0x1082;
	[sflag:s4] =	ssyncset.s32 $0xFFFFF086  }
0x25: {  	[simem:s6], [sflag:s4] =	dma.local [hbm:s3], $0xF7A  }
0x26: {  	[smem:$0x3F96] =	sst s1;
	(tag) =	ssettag s2;
	_ =	strace s9  }
0x27: {  	s1 =	sld [smem:$0x3FA6]  }
0x28: {  	s2 =	sld [smem:$0x3FA7]  }
0x29: {  	s4 =	sld [smem:$0x3FA9]  }
0x2a: {  	p0 =	seq.s32 s5, $0x0;
	s5 =	sld [smem:$0x3FAA]  }
0x2b: {  	s6 =	sld [smem:$0x3FAB]  }
0x2c: {  	s7 =	sld [smem:$0x3FAC]  }
0x2d: {  	s3 =	simm.s32 $0x108;
	s8 =	sld [smem:$0x3FAD]  }
0x2e: {  	s3 =	simm.s32 @!p0 $0x1082;
	s9 =	sld [smem:$0x3FAE]  }
0x2f: {  	lr =	sadd.s32 s0, s3;
	s0 =	sld [smem:$0x3FA5]  }
0x30: {  	s3 =	sld [smem:$0x3FA8]  }
0x31: {  	[smem:$0x3FB1] =	sst s10  }
0x32: {  	s10 =	sld [smem:$0x3FAF];
	_ =	sdelay $0x3  }
0x33: {  	p0 =	seq.s32 s10, $0x1;
	s10 =	sld [smem:$0x3FB1];
	_ =	sdelay $0x3  }
0x34: {  	[smem:$0x3FB1] =	sst s10  }
0x35: {  	s10 =	sld [smem:$0x3FB0];
	_ =	sdelay $0x3  }
0x36: {  	p1 =	seq.s32 s10, $0x1;
	s10 =	sld [smem:$0x3FB1];
	_ =	sdelay $0x3  }
0x37: {  	[smem:$0x3FB1] =	sst s10  }
0x38: {  	s10 =	sld [smem:$0x3FB2]  }
0x39: {  	_ = 	snop;
	(pc) =	sbr.ind lr, $3  }
0x3a: {  	_ = 	snop  }
0x3b: {  	_ = 	snop  }
0x3c: {  	p2 =	seq.s32 s10, $0x1;
	s10 =	sld [smem:$0x3FB1]  }
0x3d: {  	_ =	shalt  }
0x3e: {  	_ =	shalt  }
0x3f: {  	_ =	shalt  }
0x40: {  	_ =	shalt  }
0x41: {  	_ =	shalt  }
0x42: {  	_ =	shalt  }
0x43: {  	_ =	shalt  }
0x44: {  	_ =	shalt  }
0x45: {  	_ =	shalt  }
0x46: {  	_ =	shalt  }
0x47: {  	_ =	shalt  }
0x48: {  	_ =	shalt  }
0x49: {  	_ =	shalt  }
0x4a: {  	_ =	shalt  }
0x4b: {  	_ =	shalt  }
0x4c: {  	_ =	shalt  }
0x4d: {  	_ =	shalt  }
0x4e: {  	_ =	shalt  }
0x4f: {  	_ =	shalt  }
0x50: {  	_ =	shalt  }
0x51: {  	_ =	shalt  }
0x52: {  	_ =	shalt  }
0x53: {  	_ =	shalt  }
0x54: {  	_ =	shalt  }
0x55: {  	_ =	shalt  }
0x56: {  	_ =	shalt  }
0x57: {  	_ =	shalt  }
0x58: {  	_ =	shalt  }
0x59: {  	_ =	shalt  }
0x5a: {  	_ =	shalt  }
0x5b: {  	_ =	shalt  }
0x5c: {  	_ =	shalt  }
0x5d: {  	_ =	shalt  }
0x5e: {  	_ =	shalt  }
0x5f: {  	_ =	shalt  }
0x60: {  	_ =	shalt  }
0x61: {  	_ =	shalt  }
0x62: {  	_ =	shalt  }
0x63: {  	_ =	shalt  }
0x64: {  	_ =	shalt  }
0x65: {  	_ =	shalt  }
0x66: {  	_ =	shalt  }
0x67: {  	_ =	shalt  }
0x68: {  	_ =	shalt  }
0x69: {  	_ =	shalt  }
0x6a: {  	_ =	shalt  }
0x6b: {  	_ =	shalt  }
0x6c: {  	_ =	shalt  }
0x6d: {  	_ =	shalt  }
0x6e: {  	_ =	shalt  }
0x6f: {  	_ =	shalt  }
0x70: {  	_ =	shalt  }
0x71: {  	_ =	shalt  }
0x72: {  	_ =	shalt  }
0x73: {  	_ =	shalt  }
0x74: {  	_ =	shalt  }
0x75: {  	_ =	shalt  }
0x76: {  	_ =	shalt  }
0x77: {  	_ =	shalt  }
0x78: {  	_ =	shalt  }
0x79: {  	_ =	shalt  }
0x7a: {  	_ =	shalt  }
0x7b: {  	_ =	shalt  }
0x7c: {  	_ =	shalt  }
0x7d: {  	_ =	shalt  }
0x7e: {  	_ =	shalt  }
0x7f: {  	_ =	shalt  }
0x80: {  	_ =	shalt  }
0x81: {  	_ =	shalt  }
0x82: {  	_ =	shalt  }
0x83: {  	_ =	shalt  }
0x84: {  	_ =	shalt  }
0x85: {  	_ =	shalt  }
0x86: {  	_ =	shalt  }
0x87: {  	_ =	shalt  }
.Lfunc_end0:
.L_simem_size_0:
called_computation_lowered:
.L_overlay_start_0:
0x88: {  	s2 =	sld [smem:$0x3FD9]  }
0x89: {  	s3 =	sld [smem:$0x3FFE];
	_ =	sdelay $0x1  }
0x8a: {  	s1 =	srdreg.scid  }
0x8b: {  	s0 =	sand.u32 $0x1, s1  }
0x8c: {  	s16 =	sshll.u32 s0, $0xA;
	s2 =	sadd.s32 s3, s2  }
0x8d: {  	s2 =	sadd.s32 s2, s16  }
0x8e: {  	[smem:$0x3FBD] =	sst s2  }
0x8f: {  	_ = 	snop  }
0x90: {  	(tm) =	ssettm $0x1  }
0x91: {  	s17 =	sld [smem:$0x3FFB];
	_ =	sdelay $0x3  }
0x92: {  	_ =	strace s17  }
0x93: {  	s2 =	sld [smem:$0x3FFC];
	_ =	sdelay $0x3  }
0x94: {  	_ =	strace s2  }
0x95: {  	s2 =	sld [smem:$0x3FFD];
	_ =	sdelay $0x3  }
0x96: {  	_ =	strace s2  }
0x97: {  	_ =	strace $0x8FFFFFFF  }
0x98: {  	s18 =	sld [smem:$0x3FDB];
	_ =	sdelay $0x1  }
0x99: {  	s19 =	simm.s32 $_scs_section_size  }
0x9a: {  	s4 =	simm.s32 $_size__tile_overlayer_lowered;
	s5 =	simm.s32 $_tile_overlayer_lowered  }
0x9b: {  	s22 =	simm.s32 $0x1BFF;
	s21 =	sshll.u32 s5, $0x1;
	s2 =	sadd.s32 s19, s18  }
0x9c: {  	s6 =	simm.s32 $0x0;
	s20 =	sshll.u32 s4, $0x1;
	s4 =	sadd.s32 s21, s2  }
0x9d: {  	[timem:s6], [sflag:s22] =	dma.local [hbm:s4], s20  }
0x9e: {  	_ =	swait.ge [sflag:s22], s20  }
0x9f: {  	s3 =	ssub.s32 $0x0, s20;
	[sflag:s22] =	ssyncset.done $0x0  }
0xa0: {  	[sflag:s22] =	ssyncadd.s32 s3;
	_ =	sdelay $0x1  }
0xa1: {  	s23 =	simm.s32 $0x1B8B  }
0xa2: {  	_ =	swait.ge [sflag:s23], $0x1  }
0xa3: {  	[sflag:s23] =	ssyncset.done $0x0  }
0xa4: {  	s25 =	simm.s32 $0x1B8E;
	s24 =	sld [smem:$0x3FFE];
	[sflag:s23] =	ssyncadd.s32 $0xFFFFFFFF  }
0xa5: {  	s26 =	simm.s32 $execute0_lowered;
	[smem:$0x3FD2] =	sst s25  }
0xa6: {  	s4 =	sshll.u32 s26, $0x1;
	_ =	strace $0x80000046;
	[dreg:$0x1] =	wrdreg $0xFFFFFFFF  }
0xa7: {  	s28 =	simm.s32 $_size_execute0_lowered;
	s2 =	sadd.s32 s2, s4;
	[dreg:$0x0] =	wrdreg $0x0  }
0xa8: {  	s4 =	sshll.u32 s28, $0x1;
	[dreg:$0x2] =	wrdreg s2  }
0xa9: {  	[dreg:$0x3] =	wrdreg s4  }
0xaa: {  	[dreg:$0x4] =	wrdreg $0xC0  }
0xab: {  	_ =	task [dreg:s6], $0x5FFFF  }
0xac: {  	[dreg:$0x1] =	wrdreg $0xFFFFFFFF  }
0xad: {  	[dreg:$0x0] =	wrdreg $0x60  }
0xae: {  	[dreg:$0x2] =	wrdreg s24  }
0xaf: {  	[dreg:$0x3] =	wrdreg $0x9  }
0xb0: {  	_ =	task.clear_ibuf [dreg:s6], $0x4FFFF;
	_ =	strace $0x90000046  }
0xb1: {  	s29 =	simm.s32 $0x9;
	_ =	strace $0x80000048  }
0xb2: {  	_ =	swait.ge [sflag:s29], $0x1  }
0xb3: {  	[sflag:s29] =	ssyncadd.s32 $0xFFFFFFFF  }
0xb4: {  	_ =	strace $0x90000048  }
0xb5: {  	_ =	sfence  }
0xb6: {  	s30 =	sld [smem:$0x0];
	_ =	sdelay $0x2  }
0xb7: {  	s31 =	sshll.u32 s1, $0xD;
	s1 =	sshrl.u32 s1, $0x2  }
0xb8: {  	s3 =	sand.u32 $0x4000, s31;
	s1 =	sadd.s32 s1, s30  }
0xb9: {  	s0 =	sor.u32 s3, s0;
	s1 =	sshll.u32 s1, $0x11  }
0xba: {  	s0 =	sor.u32 s1, s0  }
0xbb: {  	s0 =	sadd.s32 $0x8F2B, s0  }
0xbc: {  	[sflag:s0] =	ssyncadd.remote.s32 $0x1  }
0xbd: {  	_ =	sfence.sel $0xFFFF  }
0xbe: {  	[dreg:$0x0] =	wrdreg $0xFFFFFFFF;
	(pc) =	sbr.abs _section_cstart, $3  }
0xbf: {  	[dreg:$0x1] =	wrdreg $0xFFFFFFFF  }
0xc0: {  	_ =	task.clear_ibuf [dreg:s6], $0x2FFFF;
	_ =	strace $0x9FFFFFFF  }
0xc1: {  	(tm) =	ssettm $0x7FFFFFFF  }
tec
execute0_lowered:
.L_overlay_start_1:
0x0: {  	(tag) =	ssettag $0x1  }
0x1: {  	s4 =	rddreg [dreg:$0x0]  }
0x2: {  	s2 =	srdreg.scid;
	s1 =	stileid.u32  }
0x3: {  	s0 =	rddreg [dreg:$0x1];
	s9 =	simm.s32 $0x15000;
	s10 =	simm.s32 $0x1  }
0x4: {  	s11 =	simm.s32 $0x2;
	s12 =	simm.s32 $0x3;
	s13 =	simm.s32 $0x9E00  }
0x5: {  	s14 =	simm.s32 $0x200;
	s15 =	simm.s32 $0x400;
	s16 =	simm.s32 $0x4  }
0x6: {  	s17 =	simm.s32 $0x0;
	s5 =	sand.u32 $0x1, s2;
	s3 =	sshll.u32 s1, $0x1  }
0x7: {  	s2 =	simm.s32 $0x0;
	s6 =	smul.u32 $0x13C00, s1;
	s3 =	sor.u32 s5, s3  }
0x8: {  	[smem:$0x7FF] =	sst s2;
	s8 =	sshll.u32 s5, $0x9;
	s5 =	ssub.s32 $0x2, s5  }
0x9: {  	s7 =	smul.u32 $0x1388, s3;
	_ =	strace $0x80000047;
	s6 =	sor.u32 s8, s6  }
0xa: {  	s3 =	sadd.s32 $0xCC00, s4;
	s30 =	sshrl.u32 s5, $0x1;
	s6 =	sshrl.u32 s6, $0x3  }
0xb: {  	s8 =	simm.s32 $0x13C00;
	s7 =	sshrl.u32 s7, $0x3;
	s6 =	sadd.s32 s6, s4  }
0xc: {  	s31 =	ssub.s32 s5, s30;
	s7 =	sadd.s32 s7, s4;
	s6 =	sadd.s32 $0xE000, s6  }
0xd: {  	v0 =	vimm.f32 $0.0e+00;
	vm0 =	vmmov $0xff;
	s4 =	sadd.s32 $0x2E00, s7;
	s5 =	sadd.s32 $0x7C20, s7;
	s7 =	smax.u32 s31, $0x1  }
.LBB2_1:
0xe: {  	[tilespmem:s2], [sflag:$0x1] =	stream.linear.gather [hbm4b:s3+s2], $0x9E00, $0x38;
	[tilespmem:$0x16400] =	vst v63  }
0xf: {  	s18 =	simm.s32 $0x0  }
0x10: {  	s19 =	sand.u32 $0xFE00, s2;
	s18 =	sand.u32 $0x70, s18  }
0x11: {  	[tilespmem:s8], [sflag:$0x2] =	stream.linear.gather [hbm4b:s4+s2], $0x1388, $0x38;
	[tilespmem:$0x16400] =	vst v63  }
0x12: {  	s18 =	sor.u32 s18, s19  }
0x13: {  	[tilespmem:s9], [sflag:$0x3] =	stream.linear.gather [hbm4b:s5+s2], $0x1388, $0x38;
	[tilespmem:$0x16400] =	vst v63  }
0x14: {  	[tilespmem:s18+$0x9F00] =	vst v0  }
0x15: {  	s21 =	simm.s32 $0x10;
	s20 =	simm.s32 $0x40;
	[tilespmem:s18+$0x9E80] =	vst v0  }
0x16: {  	s20 =	sand.u32 $0x1FE00, s20;
	s19 =	sand.u32 $0x70, s21;
	[tilespmem:s18+$0x9E00] =	vst v0  }
0x17: {  	s22 =	sor.u32 s19, s20;
	[tilespmem:s18+$0x9F80] =	vst v0  }
0x18: {  	[tilespmem:s22+$0x9F80] =	vst v0  }
0x19: {  	s23 =	simm.s32 $0x20;
	s24 =	simm.s32 $0x80;
	[tilespmem:s22+$0x9E80] =	vst v0  }
0x1a: {  	s19 =	sand.u32 $0x70, s23;
	s20 =	sand.u32 $0x1FE00, s24;
	[tilespmem:s22+$0x9E00] =	vst v0  }
0x1b: {  	s25 =	sor.u32 s19, s20;
	[tilespmem:s22+$0x9F00] =	vst v0  }
0x1c: {  	[tilespmem:s25+$0x9E80] =	vst v0  }
0x1d: {  	s26 =	simm.s32 $0x30;
	s28 =	simm.s32 $0xC0;
	[tilespmem:s25+$0x9F80] =	vst v0  }
0x1e: {  	s19 =	sand.u32 $0x70, s26;
	s20 =	sand.u32 $0x1FE00, s28;
	[tilespmem:s25+$0x9F00] =	vst v0  }
0x1f: {  	s29 =	sor.u32 s19, s20;
	[tilespmem:s25+$0x9E00] =	vst v0  }
0x20: {  	[tilespmem:s29+$0x9F80] =	vst v0  }
0x21: {  	s30 =	simm.s32 $0x40;
	s31 =	simm.s32 $0x100;
	[tilespmem:s29+$0x9E80] =	vst v0  }
0x22: {  	s19 =	sand.u32 $0x70, s30;
	s20 =	sand.u32 $0x1FE00, s31;
	[tilespmem:s29+$0x9E00] =	vst v0  }
0x23: {  	s20 =	sor.u32 s19, s20;
	[tilespmem:s29+$0x9F00] =	vst v0  }
0x24: {  	s18 =	simm.s32 $0x140;
	s19 =	simm.s32 $0x90;
	[tilespmem:s20+$0x9F80] =	vst v0  }
.LBB2_2:
0x25: {  	s21 =	sadd.s32 $0xFFFFFFC0, s19  }
0x26: {  	p0 =	sne.s32 s18, $0x9B00;
	[tilespmem:s20+$0x9E80] =	vst v0;
	s22 =	smov.u32 s18;
	s18 =	sadd.s32 $0x140, s18  }
0x27: {  	s21 =	sand.u32 $0x70, s21;
	s23 =	sand.u32 $0xFE00, s22;
	[tilespmem:s20+$0x9E00] =	vst v0  }
0x28: {  	s21 =	sor.u32 s21, s23;
	[tilespmem:s20+$0x9F00] =	vst v0  }
0x29: {  	[tilespmem:s21+$0x9F00] =	vst v0  }
0x2a: {  	s20 =	sadd.s32 $0xFFFFFFD0, s19;
	s23 =	sadd.s32 $0x40, s22;
	[tilespmem:s21+$0x9E80] =	vst v0  }
0x2b: {  	s20 =	sand.u32 $0x70, s20;
	s23 =	sand.u32 $0x1FE00, s23;
	[tilespmem:s21+$0x9E00] =	vst v0  }
0x2c: {  	s20 =	sor.u32 s20, s23;
	[tilespmem:s21+$0x9F80] =	vst v0  }
0x2d: {  	[tilespmem:s20+$0x9F80] =	vst v0  }
0x2e: {  	s23 =	sadd.s32 $0x80, s22;
	s21 =	sadd.s32 $0xFFFFFFE0, s19;
	[tilespmem:s20+$0x9E80] =	vst v0  }
0x2f: {  	s23 =	sand.u32 $0x1FE00, s23;
	s21 =	sand.u32 $0x70, s21;
	[tilespmem:s20+$0x9E00] =	vst v0  }
0x30: {  	[tilespmem:s20+$0x9F00] =	vst v0;
	s20 =	sor.u32 s21, s23  }
0x31: {  	[tilespmem:s20+$0x9E80] =	vst v0  }
0x32: {  	s21 =	sadd.s32 $0xFFFFFFF0, s19;
	s23 =	sadd.s32 $0xC0, s22;
	[tilespmem:s20+$0x9F80] =	vst v0  }
0x33: {  	s21 =	sand.u32 $0x70, s21;
	s23 =	sand.u32 $0x1FE00, s23;
	[tilespmem:s20+$0x9F00] =	vst v0  }
0x34: {  	[tilespmem:s20+$0x9E00] =	vst v0;
	s20 =	sor.u32 s21, s23  }
.Ltmp0:
0x35: {  	[tilespmem:s20+$0x9F80] =	vst v0;
	(pc) =	sbr.rel @p0 .LBB2_2-.Ltmp0, $4  }
0x36: {  	s21 =	sadd.s32 $0x100, s22;
	[tilespmem:s20+$0x9E80] =	vst v0  }
0x37: {  	s22 =	sand.u32 $0x70, s19;
	s21 =	sand.u32 $0x1FE00, s21;
	[tilespmem:s20+$0x9E00] =	vst v0  }
0x38: {  	[tilespmem:s20+$0x9F00] =	vst v0;
	s20 =	sor.u32 s22, s21  }
0x39: {  	s19 =	sadd.s32 $0x50, s19;
	[tilespmem:s20+$0x9F80] =	vst v0  }
0x3a: {  	[tilespmem:s20+$0x9E80] =	vst v0  }
0x3b: {  	[tilespmem:s20+$0x9E00] =	vst v0  }
0x3c: {  	[tilespmem:s20+$0x9F00] =	vst v0  }
0x3d: {  	_ =	swait.ge [sflag:s10], $0x9E00  }
0x3e: {  	[sflag:s10] =	ssyncset.done $0x0  }
0x3f: {  	[sflag:s10] =	ssyncadd.s32 $0xFFFF6200  }
0x40: {  	_ =	swait.ge [sflag:s11], $0x1388  }
0x41: {  	[sflag:s11] =	ssyncset.done $0x0  }
0x42: {  	[sflag:s11] =	ssyncadd.s32 $0xFFFFEC78  }
0x43: {  	_ =	swait.ge [sflag:s12], $0x1388  }
0x44: {  	[sflag:s12] =	ssyncset.done $0x0  }
0x45: {  	s18 =	simm.s32 $0x0;
	[sflag:s12] =	ssyncadd.s32 $0xFFFFEC78  }
.LBB2_4:
0x46: {  	s19 =	sshra.s32 s18, $0x2  }
0x47: {  	v1 =	vld [tilespmem:s19+$0x13C00];
	_ =	sdelay $0x4  }
0x48: {  	v2 =	vld [tilespmem:s19+$0x15000];
	v3 =	vshll.u32 v1, $0x2  }
0x49: {  	v1 =	vand.u32 $0x7F, v1;
	v3 =	vand.u32 $0xFFFFFE00, v3  }
0x4a: {  	v1 =	vor.u32 v1, v3;
	_ =	sdelay $0x2  }
0x4b: {  	v3 =	vshll.u32 v2, $0x2  }
0x4c: {  	v2 =	vand.u32 $0x7F, v2;
	v3 =	vand.u32 $0xFFFFFE00, v3  }
0x4d: {  	v2 =	vor.u32 v2, v3;
	v4 =	vld.idx.msk [tilespmem:v1+s2+$0x0], $0xffff  }
0x4e: {  	v3 =	vor.u32 $0x80, v1;
	_ =	sdelay $0x3  }
0x4f: {  	[tilespmem:v2+s13+$0x0] =	vst.idx.add.f32.msk $0xffff, v4  }
0x50: {  	v53 =	vor.u32 $0x80, v2;
	v3 =	vld.idx.msk [tilespmem:v3+s2+$0x0], $0xffff  }
0x51: {  	v5 =	vor.u32 $0x100, v1;
	_ =	sdelay $0x3  }
0x52: {  	[tilespmem:v53+s13+$0x0] =	vst.idx.add.f32.msk $0xffff, v3  }
0x53: {  	v54 =	vor.u32 $0x100, v2;
	v3 =	vld.idx.msk [tilespmem:v5+s2+$0x0], $0xffff  }
0x54: {  	v1 =	vor.u32 $0x180, v1;
	_ =	sdelay $0x3  }
0x55: {  	[tilespmem:v54+s13+$0x0] =	vst.idx.add.f32.msk $0xffff, v3  }
0x56: {  	v2 =	vor.u32 $0x180, v2;
	v1 =	vld.idx.msk [tilespmem:v1+s2+$0x0], $0xffff;
	_ =	sdelay $0x4  }
0x57: {  	[tilespmem:v2+s13+$0x0] =	vst.idx.add.f32.msk $0xffff, v1  }
0x58: {  	v1 =	vld [tilespmem:s19+$0x13C10];
	_ =	sdelay $0x4  }
0x59: {  	v2 =	vld [tilespmem:s19+$0x15010];
	v3 =	vshll.u32 v1, $0x2  }
0x5a: {  	v1 =	vand.u32 $0x7F, v1;
	v3 =	vand.u32 $0xFFFFFE00, v3  }
0x5b: {  	v1 =	vor.u32 v1, v3;
	_ =	sdelay $0x2  }
0x5c: {  	v3 =	vshll.u32 v2, $0x2  }
0x5d: {  	v2 =	vand.u32 $0x7F, v2;
	v3 =	vand.u32 $0xFFFFFE00, v3  }
0x5e: {  	v2 =	vor.u32 v2, v3;
	v4 =	vld.idx.msk [tilespmem:v1+s2+$0x0], $0xffff  }
0x5f: {  	v3 =	vor.u32 $0x80, v1;
	_ =	sdelay $0x3  }
0x60: {  	[tilespmem:v2+s13+$0x0] =	vst.idx.add.f32.msk $0xffff, v4  }
0x61: {  	v55 =	vor.u32 $0x80, v2;
	v3 =	vld.idx.msk [tilespmem:v3+s2+$0x0], $0xffff  }
0x62: {  	v56 =	vor.u32 $0x100, v1;
	_ =	sdelay $0x3  }
0x63: {  	[tilespmem:v55+s13+$0x0] =	vst.idx.add.f32.msk $0xffff, v3  }
0x64: {  	v57 =	vor.u32 $0x100, v2;
	v3 =	vld.idx.msk [tilespmem:v56+s2+$0x0], $0xffff  }
0x65: {  	v1 =	vor.u32 $0x180, v1;
	_ =	sdelay $0x3  }
0x66: {  	[tilespmem:v57+s13+$0x0] =	vst.idx.add.f32.msk $0xffff, v3  }
0x67: {  	v2 =	vor.u32 $0x180, v2;
	v1 =	vld.idx.msk [tilespmem:v1+s2+$0x0], $0xffff;
	_ =	sdelay $0x4  }
0x68: {  	[tilespmem:v2+s13+$0x0] =	vst.idx.add.f32.msk $0xffff, v1  }
0x69: {  	v1 =	vld [tilespmem:s19+$0x13C20];
	_ =	sdelay $0x4  }
0x6a: {  	v2 =	vld [tilespmem:s19+$0x15020];
	v3 =	vshll.u32 v1, $0x2  }
0x6b: {  	v1 =	vand.u32 $0x7F, v1;
	v3 =	vand.u32 $0xFFFFFE00, v3  }
0x6c: {  	v1 =	vor.u32 v1, v3;
	_ =	sdelay $0x2  }
0x6d: {  	v3 =	vshll.u32 v2, $0x2  }
0x6e: {  	v2 =	vand.u32 $0x7F, v2;
	v3 =	vand.u32 $0xFFFFFE00, v3  }
0x6f: {  	v2 =	vor.u32 v2, v3;
	v4 =	vld.idx.msk [tilespmem:v1+s2+$0x0], $0xffff  }
0x70: {  	v3 =	vor.u32 $0x80, v1;
	_ =	sdelay $0x3  }
0x71: {  	[tilespmem:v2+s13+$0x0] =	vst.idx.add.f32.msk $0xffff, v4  }
0x72: {  	v58 =	vor.u32 $0x80, v2;
	v3 =	vld.idx.msk [tilespmem:v3+s2+$0x0], $0xffff  }
0x73: {  	v59 =	vor.u32 $0x100, v1;
	_ =	sdelay $0x3  }
0x74: {  	[tilespmem:v58+s13+$0x0] =	vst.idx.add.f32.msk $0xffff, v3  }
0x75: {  	v60 =	vor.u32 $0x100, v2;
	v3 =	vld.idx.msk [tilespmem:v59+s2+$0x0], $0xffff  }
0x76: {  	v1 =	vor.u32 $0x180, v1;
	_ =	sdelay $0x3  }
0x77: {  	[tilespmem:v60+s13+$0x0] =	vst.idx.add.f32.msk $0xffff, v3  }
0x78: {  	v2 =	vor.u32 $0x180, v2;
	v1 =	vld.idx.msk [tilespmem:v1+s2+$0x0], $0xffff;
	_ =	sdelay $0x4  }
0x79: {  	[tilespmem:v2+s13+$0x0] =	vst.idx.add.f32.msk $0xffff, v1  }
0x7a: {  	v1 =	vld [tilespmem:s19+$0x13C30];
	_ =	sdelay $0x4  }
0x7b: {  	v2 =	vld [tilespmem:s19+$0x15030];
	v3 =	vshll.u32 v1, $0x2  }
0x7c: {  	v1 =	vand.u32 $0x7F, v1;
	v3 =	vand.u32 $0xFFFFFE00, v3  }
0x7d: {  	v1 =	vor.u32 v1, v3;
	_ =	sdelay $0x2  }
0x7e: {  	v3 =	vshll.u32 v2, $0x2  }
0x7f: {  	v2 =	vand.u32 $0x7F, v2;
	v3 =	vand.u32 $0xFFFFFE00, v3  }
0x80: {  	v2 =	vor.u32 v2, v3;
	v4 =	vld.idx.msk [tilespmem:v1+s2+$0x0], $0xffff  }
0x81: {  	v3 =	vor.u32 $0x80, v1;
	_ =	sdelay $0x3  }
0x82: {  	[tilespmem:v2+s13+$0x0] =	vst.idx.add.f32.msk $0xffff, v4  }
0x83: {  	v61 =	vor.u32 $0x80, v2;
	v3 =	vld.idx.msk [tilespmem:v3+s2+$0x0], $0xffff  }
0x84: {  	v62 =	vor.u32 $0x100, v1;
	_ =	sdelay $0x3  }
0x85: {  	[tilespmem:v61+s13+$0x0] =	vst.idx.add.f32.msk $0xffff, v3  }
0x86: {  	v63 =	vor.u32 $0x100, v2;
	v3 =	vld.idx.msk [tilespmem:v62+s2+$0x0], $0xffff  }
0x87: {  	v1 =	vor.u32 $0x180, v1;
	_ =	sdelay $0x3  }
0x88: {  	[tilespmem:v63+s13+$0x0] =	vst.idx.add.f32.msk $0xffff, v3  }
0x89: {  	p0 =	sne.s32 s18, $0x4D00;
	v2 =	vor.u32 $0x180, v2;
	v1 =	vld.idx.msk [tilespmem:v1+s2+$0x0], $0xffff  }
.Ltmp1:
0x8a: {  	_ = 	snop;
	(pc) =	sbr.rel @p0 .LBB2_4-.Ltmp1, $2  }
0x8b: {  	_ =	sdelay $0x2  }
0x8c: {  	s18 =	sadd.s32 $0x100, s18;
	[tilespmem:v2+s13+$0x0] =	vst.idx.add.f32.msk $0xffff, v1  }
0x8d: {  	v1 =	vld [tilespmem:$0x14F80];
	_ =	sdelay $0x4  }
0x8e: {  	v2 =	vld [tilespmem:$0x16380];
	v1 =	vnsel vm0, $0x0, v1  }
0x8f: {  	v3 =	vshll.u32 v1, $0x2  }
0x90: {  	v1 =	vand.u32 $0x7F, v1;
	v3 =	vand.u32 $0xFFFFFE00, v3  }
0x91: {  	v1 =	vor.u32 v1, v3;
	_ =	sdelay $0x1  }
0x92: {  	v2 =	vnsel vm0, $0x0, v2  }
0x93: {  	v3 =	vshll.u32 v2, $0x2  }
0x94: {  	v2 =	vand.u32 $0x7F, v2;
	v3 =	vand.u32 $0xFFFFFE00, v3  }
0x95: {  	v2 =	vor.u32 v2, v3;
	v4 =	vld.idx.msk [tilespmem:v1+s2+$0x0], $0xffff  }
0x96: {  	v3 =	vor.u32 $0x80, v1;
	_ =	sdelay $0x3  }
0x97: {  	[tilespmem:v2+s13+$0x0] =	vst.idx.add.f32.msk $0xff, v4  }
0x98: {  	v62 =	vor.u32 $0x80, v2;
	v3 =	vld.idx.msk [tilespmem:v3+s2+$0x0], $0xffff  }
0x99: {  	v5 =	vor.u32 $0x100, v1;
	_ =	sdelay $0x3  }
0x9a: {  	[tilespmem:v62+s13+$0x0] =	vst.idx.add.f32.msk $0xff, v3  }
0x9b: {  	v63 =	vor.u32 $0x100, v2;
	v3 =	vld.idx.msk [tilespmem:v5+s2+$0x0], $0xffff  }
0x9c: {  	v1 =	vor.u32 $0x180, v1;
	_ =	sdelay $0x3  }
0x9d: {  	[tilespmem:v63+s13+$0x0] =	vst.idx.add.f32.msk $0xff, v3  }
0x9e: {  	v2 =	vor.u32 $0x180, v2;
	v1 =	vld.idx.msk [tilespmem:v1+s2+$0x0], $0xffff;
	_ =	sdelay $0x2  }
0x9f: {  	s17 =	sadd.s32 $0x1, s17  }
0xa0: {  	p0 =	sne.s32 s17, s7  }
.Ltmp2:
0xa1: {  	[tilespmem:v2+s13+$0x0] =	vst.idx.add.f32.msk $0xff, v1;
	(pc) =	sbr.rel @p0 .LBB2_1-.Ltmp2, $4  }
0xa2: {  	[hbm4b:s6+s14] =	stream.strided.scatter [tilespmem:s13], [sflag:$0x4], $0x9E00, s15, s14, $0x38;
	[tilespmem:$0x16400] =	vst v63  }
0xa3: {  	_ =	swait.ge [sflag:s16], $0x9E00  }
0xa4: {  	[sflag:s16] =	ssyncset.done $0x0  }
0xa5: {  	[sflag:s16] =	ssyncadd.s32 $0xFFFF6200  }
0xa6: {  	_ =	sfence.sel $0x180000  }
0xa7: {  	[bflag:$0x0] =	sbarrier.arrive $0xFFFF  }
0xa8: {  	p0 =	sne.s32 s1, $0x0;
	_ =	strace $0x90000047  }
0xa9: {  	s0 =	sadd.s32 @!p0 $0x100000, s0;
	[bflag:$0x2] =	sbarrier.arrive $0xFFFF  }
0xaa: {  	[sflag:s0] =	ssyncadd.tile.s32 @!p0 $0x1;
	_ =	shalt  }
.Lfunc_end2:
_tile_overlayer_lowered:
.L_overlay_start_2:
0xab: {  	(tag) =	ssettag $0x2  }
0xac: {  	s0 =	rddreg [dreg:$0x0];
	s2 =	stileid.u32  }
0xad: {  	s1 =	rddreg [dreg:$0x1];
	p0 =	sne.s32 s2, $0x0  }
0xae: {  	s3 =	rddreg [dreg:$0x2];
	[bflag:$0x3] =	sbarrier.arrive $0xFFFF;
	s2 =	simm.s32 @!p0 $0x1C04  }
0xaf: {  	[timem:s3], [sflag:s2] =	dma.local @!p0 [hbm:s0], s1  }
0xb0: {  	s0 =	simm.s32 @!p0 $0x4  }
0xb1: {  	_ =	swait.ge @!p0 [sflag:s0], s1  }
0xb2: {  	s1 =	ssub.s32 @!p0 $0x0, s1;
	[sflag:s0] =	ssyncset.done @!p0 $0x0  }
0xb3: {  	[sflag:s0] =	ssyncadd.s32 @!p0 s1  }
0xb4: {  	[bflag:$0x3] =	sbarrier.arrive $0xFFFF  }
0xb5: {  	_ =	shalt  }

</sc_bundles>
